<compile_context>
chip_gen: v7x
topology: tpu7x:2x2x1
jax: 0.10.2.dev20260603
libtpu: 0.0.44.dev20260713+nightly
codegen_flags: <defaults>
</compile_context>

<pallas_src>
import functools

import jax
import jax.numpy as jnp
from jax import lax
from jax.experimental import pallas as pl
from jax.experimental.pallas import tpu as pltpu
from jax.experimental.pallas import tpu_sc as plsc

E = 8
TOP_K = 2
H = 1024
I = 1024
N = 2048
TMS = 256
P = N * TOP_K + E * TMS
G = P // TMS
TE_LANES = 128

TMR = 512
NTR = N // TMR

_NC = 2
_NS = 16
_NW = _NC * _NS
_TPW = N // _NW


def _router_body(x_ref, gw_ref, alpha_ref, dest8_ref, w8_ref, te_ref,
                 xbi_ref, cnt_ref, run_ref):
    p = pl.program_id(0)
    t = pl.program_id(1)
    x = x_ref[...]
    lo = jax.lax.bitcast_convert_type(
        x[:, :H // 2].astype(jnp.bfloat16), jnp.uint16).astype(jnp.uint32)
    hi = jax.lax.bitcast_convert_type(
        x[:, H // 2:].astype(jnp.bfloat16), jnp.uint16).astype(jnp.uint32)
    xbi_ref[...] = jax.lax.bitcast_convert_type(
        lo | (hi << 16), jnp.int32)
    logits = jnp.dot(x, gw_ref[...], preferred_element_type=jnp.float32)
    probs = jax.nn.softmax(logits, axis=-1)
    m1 = jnp.max(probs, axis=-1, keepdims=True)
    masked = jnp.where(probs >= m1, -1.0, probs)
    m2 = jnp.max(masked, axis=-1, keepdims=True)
    sel = (probs >= m2).astype(jnp.float32)
    colsum = jnp.sum(sel, axis=0, keepdims=True)

    @pl.when(p == 0)
    def _():
        prev = jnp.where(t == 0, jnp.zeros_like(colsum), cnt_ref[...])
        cnt_ref[...] = prev + colsum

    @pl.when(p == 1)
    def _():
        cnt = cnt_ref[...]
        padded = jnp.floor((cnt + (TMS - 1)) * (1.0 / TMS)) * TMS
        triu = (jax.lax.broadcasted_iota(jnp.int32, (E, E), 0)
                <= jax.lax.broadcasted_iota(jnp.int32, (E, E), 1)
                ).astype(jnp.float32)
        cum = jnp.dot(padded, triu, preferred_element_type=jnp.float32)
        offs = cum - padded

        run = jnp.where(t == 0, jnp.zeros_like(colsum), run_ref[...])
        run_ref[...] = run + colsum
        tril = (jax.lax.broadcasted_iota(jnp.int32, (TMR, TMR), 1)
                < jax.lax.broadcasted_iota(jnp.int32, (TMR, TMR), 0)
                ).astype(jnp.float32)
        ranks = jnp.dot(tril, sel, preferred_element_type=jnp.float32)
        dest_all = offs + run + ranks

        lane = jax.lax.broadcasted_iota(jnp.int32, probs.shape, 1)
        i1 = jnp.min(jnp.where(probs >= m1, lane, E), axis=-1, keepdims=True)
        i2 = jnp.min(jnp.where((probs >= m2) & (lane != i1), lane, E),
                     axis=-1, keepdims=True)
        hit1 = lane == i1
        hit2 = lane == i2
        d0 = jnp.sum(jnp.where(hit1, dest_all, 0.0), axis=-1)
        d1 = jnp.sum(jnp.where(hit2, dest_all, 0.0), axis=-1)
        wa = probs * alpha_ref[...]
        w0 = jnp.sum(jnp.where(hit1, wa, 0.0), axis=-1)
        w1 = jnp.sum(jnp.where(hit2, wa, 0.0), axis=-1)

        su = jax.lax.broadcasted_iota(jnp.int32, (8, TMR), 0)
        dest8_ref[...] = jnp.where(
            su == 0, d0[None, :], jnp.where(su == 1, d1[None, :], 0.0)
        ).astype(jnp.int32)
        w8_ref[...] = jnp.where(
            su == 0, w0[None, :], jnp.where(su == 1, w1[None, :], 0.0))

        gt = (jax.lax.broadcasted_iota(jnp.int32, (1, TE_LANES), 1)
              * TMS).astype(jnp.float32)
        te = jnp.zeros((1, TE_LANES), jnp.float32)
        for e in range(E):
            te = te + (gt >= cum[0, e]).astype(jnp.float32)
        te_ref[...] = jnp.minimum(te, E - 1).astype(jnp.int32)


def _router(flat, gate_w, alpha_row):
    return pl.pallas_call(
        _router_body,
        grid=(2, NTR),
        in_specs=[
            pl.BlockSpec((TMR, H), lambda p, t: (t, 0)),
            pl.BlockSpec((H, E), lambda p, t: (0, 0)),
            pl.BlockSpec((1, E), lambda p, t: (0, 0)),
        ],
        out_specs=[
            pl.BlockSpec((8, TMR), lambda p, t: (0, t)),
            pl.BlockSpec((8, TMR), lambda p, t: (0, t)),
            pl.BlockSpec((1, TE_LANES), lambda p, t: (0, 0)),
            pl.BlockSpec((TMR, H // 2), lambda p, t: (t, 0)),
        ],
        out_shape=[
            jax.ShapeDtypeStruct((8, N), jnp.int32),
            jax.ShapeDtypeStruct((8, N), jnp.float32),
            jax.ShapeDtypeStruct((1, TE_LANES), jnp.int32),
            jax.ShapeDtypeStruct((N, H // 2), jnp.int32),
        ],
        scratch_shapes=[
            pltpu.VMEM((1, E), jnp.float32),
            pltpu.VMEM((1, E), jnp.float32),
        ],
    )(flat, gate_w, alpha_row)


@functools.lru_cache(maxsize=None)
def _make_sc_dispatch():
    mesh = plsc.VectorSubcoreMesh(core_axis_name="c", subcore_axis_name="s",
                                  num_cores=_NC)

    @functools.partial(
        pl.kernel,
        mesh=mesh,
        out_type=jax.ShapeDtypeStruct((P, H // 2), jnp.int32),
        scratch_types=[
            pltpu.VMEM((_TPW // 2, H // 2), jnp.int32),
            pltpu.VMEM((_TPW // 2, H // 2), jnp.int32),
            pltpu.VMEM((_TPW // 2,), jnp.int32),
            pltpu.VMEM((_TPW // 2,), jnp.int32),
            pltpu.VMEM((_TPW // 2,), jnp.int32),
            pltpu.VMEM((_TPW // 2,), jnp.int32),
            pltpu.SemaphoreType.DMA,
            pltpu.SemaphoreType.DMA,
            pltpu.SemaphoreType.DMA,
        ],
    )
    def dispatch_k(x_hbm, dest8_hbm, xg_hbm, rows_a, rows_b,
                   i0a, i0b, i1a, i1b, sr, s0, s1):
        wid = lax.axis_index("s") * _NC + lax.axis_index("c")
        base = wid * _TPW
        hw = _TPW // 2
        ci0 = pltpu.async_copy(dest8_hbm.at[0, pl.ds(base, hw)], i0a, s0)
        ci1 = pltpu.async_copy(dest8_hbm.at[1, pl.ds(base, hw)], i1a, s1)
        ci2 = pltpu.async_copy(dest8_hbm.at[0, pl.ds(base + hw, hw)], i0b, s0)
        ci3 = pltpu.async_copy(dest8_hbm.at[1, pl.ds(base + hw, hw)], i1b, s1)
        ra = pltpu.async_copy(x_hbm.at[pl.ds(base, hw)], rows_a, sr)
        rb = pltpu.async_copy(x_hbm.at[pl.ds(base + hw, hw)], rows_b, sr)
        ci0.wait()
        ci1.wait()
        ci2.wait()
        ci3.wait()
        ra.wait()
        c0 = pltpu.async_copy(rows_a, xg_hbm.at[i0a], s0)
        c1 = pltpu.async_copy(rows_a, xg_hbm.at[i1a], s1)
        rb.wait()
        c2 = pltpu.async_copy(rows_b, xg_hbm.at[i0b], s0)
        c3 = pltpu.async_copy(rows_b, xg_hbm.at[i1b], s1)
        c0.wait()
        c1.wait()
        c2.wait()
        c3.wait()

    return dispatch_k


@functools.lru_cache(maxsize=None)
def _make_sc_combine():
    mesh = plsc.VectorSubcoreMesh(core_axis_name="c", subcore_axis_name="s",
                                  num_cores=_NC)

    @functools.partial(
        pl.kernel,
        mesh=mesh,
        out_type=jax.ShapeDtypeStruct((TOP_K * N, H // 2), jnp.int32),
        scratch_types=(
            [pltpu.VMEM((_TPW // 2, H // 2), jnp.int32) for _ in range(3)]
            + [pltpu.VMEM((_TPW // 2,), jnp.int32) for _ in range(4)]
            + [pltpu.SemaphoreType.DMA, pltpu.SemaphoreType.DMA,
               pltpu.SemaphoreType.DMA]
        ),
    )
    def combine_k(ys_hbm, dest8_hbm, g2_hbm,
                  b0, b1, b2, i0, i1, i2, i3, si, sg, sw):
        wid = lax.axis_index("s") * _NC + lax.axis_index("c")
        base = wid * _TPW
        hw = _TPW // 2
        bufs = [b0, b1, b2]
        idxs = [i0, i1, i2, i3]

        def dst(c):
            slot, half = divmod(c, 2)
            return g2_hbm.at[pl.ds(slot * N + base + half * hw, hw)]

        ics = [pltpu.async_copy(
            dest8_hbm.at[c // 2, pl.ds(base + (c % 2) * hw, hw)],
            idxs[c], si) for c in range(4)]
        ics[0].wait()
        g0 = pltpu.async_copy(ys_hbm.at[idxs[0]], b0, sg)
        ics[1].wait()
        g1 = pltpu.async_copy(ys_hbm.at[idxs[1]], b1, sg)
        ics[2].wait()
        g2c = pltpu.async_copy(ys_hbm.at[idxs[2]], b2, sg)
        g0.wait()
        w0 = pltpu.async_copy(b0, dst(0), sw)
        g1.wait()
        w1 = pltpu.async_copy(b1, dst(1), sw)
        w0.wait()
        ics[3].wait()
        g3 = pltpu.async_copy(ys_hbm.at[idxs[3]], b0, sg)
        g2c.wait()
        w2 = pltpu.async_copy(b2, dst(2), sw)
        g3.wait()
        w3 = pltpu.async_copy(b0, dst(3), sw)
        w1.wait()
        w2.wait()
        w3.wait()

    return combine_k


def _ffn_body(te_ref, xg_ref, f1wl_ref, f1wh_ref, f1b_ref, f2w_ref, f2b_ref,
              ys_ref):
    xi = jax.lax.bitcast_convert_type(xg_ref[...], jnp.uint32)
    xlo = jax.lax.bitcast_convert_type(
        (xi & 0xFFFF).astype(jnp.uint16), jnp.bfloat16)
    xhi = jax.lax.bitcast_convert_type(
        (xi >> 16).astype(jnp.uint16), jnp.bfloat16)
    h1 = (jnp.dot(xlo, f1wl_ref[0], preferred_element_type=jnp.float32)
          + jnp.dot(xhi, f1wh_ref[0], preferred_element_type=jnp.float32))
    h1 = h1 + f1b_ref[0, 0, :][None, :]
    g = 0.5 * h1 * (1.0 + jax.lax.erf(h1 * 0.7071067811865476))
    y = jnp.dot(g.astype(jnp.bfloat16), f2w_ref[0],
                preferred_element_type=jnp.float32)
    y = y + f2b_ref[0, 0, :][None, :]
    ylo = jax.lax.bitcast_convert_type(
        y[:, :H // 2].astype(jnp.bfloat16), jnp.uint16).astype(jnp.uint32)
    yhi = jax.lax.bitcast_convert_type(
        y[:, H // 2:].astype(jnp.bfloat16), jnp.uint16).astype(jnp.uint32)
    ys_ref[...] = jax.lax.bitcast_convert_type(ylo | (yhi << 16), jnp.int32)


def _ffn(xg, f1wl, f1wh, f1b, f2w, f2b, tile_expert):
    grid_spec = pltpu.PrefetchScalarGridSpec(
        num_scalar_prefetch=1,
        grid=(G,),
        in_specs=[
            pl.BlockSpec((TMS, H // 2), lambda g, te: (g, 0)),
            pl.BlockSpec((1, H // 2, I), lambda g, te: (te[g], 0, 0)),
            pl.BlockSpec((1, H // 2, I), lambda g, te: (te[g], 0, 0)),
            pl.BlockSpec((1, 1, I), lambda g, te: (te[g], 0, 0)),
            pl.BlockSpec((1, I, H), lambda g, te: (te[g], 0, 0)),
            pl.BlockSpec((1, 1, H), lambda g, te: (te[g], 0, 0)),
        ],
        out_specs=pl.BlockSpec((TMS, H // 2), lambda g, te: (g, 0)),
    )
    return pl.pallas_call(
        _ffn_body,
        grid_spec=grid_spec,
        out_shape=jax.ShapeDtypeStruct((P, H // 2), jnp.int32),
    )(tile_expert, xg, f1wl, f1wh, f1b, f2w, f2b)


def _unpack16(xi32):
    xu = jax.lax.bitcast_convert_type(xi32, jnp.uint32)
    lo = jax.lax.bitcast_convert_type(
        (xu & 0xFFFF).astype(jnp.uint16), jnp.bfloat16).astype(jnp.float32)
    hi = jax.lax.bitcast_convert_type(
        (xu >> 16).astype(jnp.uint16), jnp.bfloat16).astype(jnp.float32)
    return lo, hi


def _wadd_body(g_ref, w_ref, out_ref):
    w0 = w_ref[0, :][:, None]
    w1 = w_ref[1, :][:, None]
    lo0, hi0 = _unpack16(g_ref[0])
    lo1, hi1 = _unpack16(g_ref[1])
    out_ref[:, :H // 2] = lo0 * w0 + lo1 * w1
    out_ref[:, H // 2:] = hi0 * w0 + hi1 * w1


def _combine_add(g2, w8):
    tm = 512
    return pl.pallas_call(
        _wadd_body,
        grid=(N // tm,),
        in_specs=[
            pl.BlockSpec((2, tm, H // 2), lambda t: (0, t, 0)),
            pl.BlockSpec((8, tm), lambda t: (0, t)),
        ],
        out_specs=pl.BlockSpec((tm, H), lambda t: (t, 0)),
        out_shape=jax.ShapeDtypeStruct((N, H), jnp.float32),
    )(g2, w8)


def _sc_dispatch(x, dest8):
    return _make_sc_dispatch()(x, dest8)


def _sc_combine(ys, dest8):
    return _make_sc_combine()(ys, dest8)


@jax.jit
def _moe(flat, gate_w, alpha_row, f1wl, f1wh, f1b, f2w, f2b):
    dest8, w8, te, xbi = _router(flat, gate_w, alpha_row)
    tile_expert = te[0, :G]
    xg = _sc_dispatch(xbi, dest8)
    ys = _ffn(xg, f1wl, f1wh, f1b, f2w, f2b, tile_expert)
    g2 = _sc_combine(ys, dest8)
    return _combine_add(g2.reshape(TOP_K, N, H // 2), w8)


def kernel(hidden_states, gate_w, fc1_w, fc1_b, fc2_w, fc2_b, alpha):
    b, s, h = hidden_states.shape
    flat = hidden_states.reshape(-1, h)
    f1wl = fc1_w[:, :H // 2, :].astype(jnp.bfloat16)
    f1wh = fc1_w[:, H // 2:, :].astype(jnp.bfloat16)
    f2w = fc2_w.astype(jnp.bfloat16)
    f1b = fc1_b.reshape(E, 1, I)
    f2b = fc2_b.reshape(E, 1, H)
    out = _moe(flat, gate_w, alpha.reshape(1, E), f1wl, f1wh, f1b, f2w, f2b)
    return out.reshape(b, s, h)

# --- scband reference (transcript-rebuilt; emitter-appended) ---
"""Pipeline reference for scband-mo-e-2860448219291 (READ-ONLY COPY).

The authoritative reference and input builder live on the scoring server;
editing this copy changes nothing except your own understanding.
"""

import jax, jax.numpy as jnp
import numpy as np

E = 8
TOP_K = 2
H = 1024
I = 1024  # intermediate_size(4096) // scale_factor(4)
B, S = 1, 2048


def setup_inputs(seed: int = 0) -> dict:
    key = jax.random.key(seed)
    ks = jax.random.split(key, 8)
    hidden_states = jax.random.normal(ks[0], (B, S, H), dtype=jnp.float32)
    gate_w = jax.random.normal(ks[1], (H, E), dtype=jnp.float32) * 0.02
    fc1_w = jax.random.normal(ks[2], (E, H, I), dtype=jnp.float32) * 0.02
    fc1_b = jnp.zeros((E, I), dtype=jnp.float32)
    fc2_w = jax.random.normal(ks[3], (E, I, H), dtype=jnp.float32) * 0.02
    fc2_b = jnp.zeros((E, H), dtype=jnp.float32)
    alpha = jax.random.normal(ks[4], (E,), dtype=jnp.float32)
    return {
        "hidden_states": hidden_states,
        "gate_w": gate_w,
        "fc1_w": fc1_w,
        "fc1_b": fc1_b,
        "fc2_w": fc2_w,
        "fc2_b": fc2_b,
        "alpha": alpha,
    }


def reference(hidden_states, gate_w, fc1_w, fc1_b, fc2_w, fc2_b, alpha):
    b, s, h = hidden_states.shape
    flat = hidden_states.reshape(-1, h)  # [N, H]
    # GShard-style gate: linear -> softmax -> top-k
    logits = flat @ gate_w  # [N, E]
    probs = jax.nn.softmax(logits, axis=-1)
    gate_score, gate_idx = jax.lax.top_k(probs, TOP_K)  # [N, k]
    out = jnp.zeros_like(flat)
    for e in range(E):
        # combined routing weight for expert e across top-k slots
        w_e = jnp.sum(gate_score * (gate_idx == e).astype(gate_score.dtype), axis=-1)  # [N]
        hdn = flat @ fc1_w[e] + fc1_b[e]
        hdn = jax.nn.gelu(hdn, approximate=False)
        y = hdn @ fc2_w[e] + fc2_b[e]
        out = out + y * (w_e * alpha[e])[:, None]
    return out.reshape(b, s, h)

if __name__ == "__main__":
    import jax
    _d = setup_inputs()
    print(jax.jit(kernel)(*tuple(_d.values())))

</pallas_src>

<mosaic_0001>
#map = affine_map<(d0, d1) -> (0, 0)>
module attributes {stable_mosaic.version = 14 : i64} {
  func.func @combine_k(%arg0: i32, %arg1: i32, %arg2: memref<6144x512xi32, #tpu.memory_space<hbm>>, %arg3: memref<8x2048xi32, #tpu.memory_space<hbm>>, %arg4: memref<4096x512xi32, #tpu.memory_space<hbm>>, %arg5: memref<32x512xi32, #tpu.memory_space<vmem>>, %arg6: memref<32x512xi32, #tpu.memory_space<vmem>>, %arg7: memref<32x512xi32, #tpu.memory_space<vmem>>, %arg8: memref<32xi32, #tpu.memory_space<vmem>>, %arg9: memref<32xi32, #tpu.memory_space<vmem>>, %arg10: memref<32xi32, #tpu.memory_space<vmem>>, %arg11: memref<32xi32, #tpu.memory_space<vmem>>, %arg12: memref<!tpu.dma_semaphore, #tpu.memory_space<semaphore_mem>>, %arg13: memref<!tpu.dma_semaphore, #tpu.memory_space<semaphore_mem>>, %arg14: memref<!tpu.dma_semaphore, #tpu.memory_space<semaphore_mem>>) attributes {dimension_semantics = [#tpu.dimension_semantics<core_parallel>, #tpu.dimension_semantics<subcore_parallel>], iteration_bounds = array<i64: 2, 16>, scalar_prefetch = 0 : i64, scratch_operands = 10 : i64, tpu.core_type = #tpu.core_type<sc_vector_subcore>, window_params = [{transform_indices = #map}, {transform_indices = #map}, {transform_indices = #map}]} {
    %mul3A = arith.constant 2 : i32
    %mul3A_0 = arith.muli %arg1, %mul3A : i32
    %add3A = arith.addi %mul3A_0, %arg0 : i32
    %mul3A_1 = arith.constant 64 : i32
    %mul3A_2 = arith.muli %add3A, %mul3A_1 : i32
    %add3A_3 = arith.constant 0 : i32
    %add3A_4 = arith.addi %mul3A_2, %add3A_3 : i32
    %dma_start3A = arith.constant 0 : i32
    %dma_start3A_5 = tpu.memref_slice %arg3[%dma_start3A, %add3A_4] : memref<8x2048xi32, #tpu.memory_space<hbm>> -> memref<1x32xi32, #tpu.memory_space<hbm>>
    %dma_start3A_6 = tpu.memref_squeeze %dma_start3A_5 : memref<1x32xi32, #tpu.memory_space<hbm>> -> memref<32xi32, #tpu.memory_space<hbm>>
    %dma_start3A_7 = tpu.memref_slice %arg3[%dma_start3A, %add3A_4] : memref<8x2048xi32, #tpu.memory_space<hbm>> -> memref<1x32xi32, #tpu.memory_space<hbm>>
    %dma_start3A_8 = tpu.memref_squeeze %dma_start3A_7 : memref<1x32xi32, #tpu.memory_space<hbm>> -> memref<32xi32, #tpu.memory_space<hbm>>
    tpu.enqueue_dma source(%dma_start3A_8 : memref<32xi32, #tpu.memory_space<hbm>>) target(%arg8 : memref<32xi32, #tpu.memory_space<vmem>>) target_semaphore(%arg12 : memref<!tpu.dma_semaphore, #tpu.memory_space<semaphore_mem>>)
    %add3A_9 = arith.constant 32 : i32
    %add3A_10 = arith.addi %mul3A_2, %add3A_9 : i32
    %dma_start3A_11 = arith.constant 0 : i32
    %dma_start3A_12 = tpu.memref_slice %arg3[%dma_start3A_11, %add3A_10] : memref<8x2048xi32, #tpu.memory_space<hbm>> -> memref<1x32xi32, #tpu.memory_space<hbm>>
    %dma_start3A_13 = tpu.memref_squeeze %dma_start3A_12 : memref<1x32xi32, #tpu.memory_space<hbm>> -> memref<32xi32, #tpu.memory_space<hbm>>
    %dma_start3A_14 = tpu.memref_slice %arg3[%dma_start3A_11, %add3A_10] : memref<8x2048xi32, #tpu.memory_space<hbm>> -> memref<1x32xi32, #tpu.memory_space<hbm>>
    %dma_start3A_15 = tpu.memref_squeeze %dma_start3A_14 : memref<1x32xi32, #tpu.memory_space<hbm>> -> memref<32xi32, #tpu.memory_space<hbm>>
    tpu.enqueue_dma source(%dma_start3A_15 : memref<32xi32, #tpu.memory_space<hbm>>) target(%arg9 : memref<32xi32, #tpu.memory_space<vmem>>) target_semaphore(%arg12 : memref<!tpu.dma_semaphore, #tpu.memory_space<semaphore_mem>>)
    %add3A_16 = arith.constant 0 : i32
    %add3A_17 = arith.addi %mul3A_2, %add3A_16 : i32
    %dma_start3A_18 = arith.constant 1 : i32
    %dma_start3A_19 = tpu.memref_slice %arg3[%dma_start3A_18, %add3A_17] : memref<8x2048xi32, #tpu.memory_space<hbm>> -> memref<1x32xi32, #tpu.memory_space<hbm>>
    %dma_start3A_20 = tpu.memref_squeeze %dma_start3A_19 : memref<1x32xi32, #tpu.memory_space<hbm>> -> memref<32xi32, #tpu.memory_space<hbm>>
    %dma_start3A_21 = tpu.memref_slice %arg3[%dma_start3A_18, %add3A_17] : memref<8x2048xi32, #tpu.memory_space<hbm>> -> memref<1x32xi32, #tpu.memory_space<hbm>>
    %dma_start3A_22 = tpu.memref_squeeze %dma_start3A_21 : memref<1x32xi32, #tpu.memory_space<hbm>> -> memref<32xi32, #tpu.memory_space<hbm>>
    tpu.enqueue_dma source(%dma_start3A_22 : memref<32xi32, #tpu.memory_space<hbm>>) target(%arg10 : memref<32xi32, #tpu.memory_space<vmem>>) target_semaphore(%arg12 : memref<!tpu.dma_semaphore, #tpu.memory_space<semaphore_mem>>)
    %add3A_23 = arith.constant 32 : i32
    %add3A_24 = arith.addi %mul3A_2, %add3A_23 : i32
    %dma_start3A_25 = arith.constant 1 : i32
    %dma_start3A_26 = tpu.memref_slice %arg3[%dma_start3A_25, %add3A_24] : memref<8x2048xi32, #tpu.memory_space<hbm>> -> memref<1x32xi32, #tpu.memory_space<hbm>>
    %dma_start3A_27 = tpu.memref_squeeze %dma_start3A_26 : memref<1x32xi32, #tpu.memory_space<hbm>> -> memref<32xi32, #tpu.memory_space<hbm>>
    %dma_start3A_28 = tpu.memref_slice %arg3[%dma_start3A_25, %add3A_24] : memref<8x2048xi32, #tpu.memory_space<hbm>> -> memref<1x32xi32, #tpu.memory_space<hbm>>
    %dma_start3A_29 = tpu.memref_squeeze %dma_start3A_28 : memref<1x32xi32, #tpu.memory_space<hbm>> -> memref<32xi32, #tpu.memory_space<hbm>>
    tpu.enqueue_dma source(%dma_start3A_29 : memref<32xi32, #tpu.memory_space<hbm>>) target(%arg11 : memref<32xi32, #tpu.memory_space<vmem>>) target_semaphore(%arg12 : memref<!tpu.dma_semaphore, #tpu.memory_space<semaphore_mem>>)
    %dma_wait3A = arith.constant 0 : i32
    %dma_wait3A_30 = tpu.memref_slice %arg3[%dma_wait3A, %add3A_4] : memref<8x2048xi32, #tpu.memory_space<hbm>> -> memref<1x32xi32, #tpu.memory_space<hbm>>
    %dma_wait3A_31 = tpu.memref_squeeze %dma_wait3A_30 : memref<1x32xi32, #tpu.memory_space<hbm>> -> memref<32xi32, #tpu.memory_space<hbm>>
    %dma_wait3A_32 = tpu.memref_slice %arg3[%dma_wait3A, %add3A_4] : memref<8x2048xi32, #tpu.memory_space<hbm>> -> memref<1x32xi32, #tpu.memory_space<hbm>>
    %dma_wait3A_33 = tpu.memref_squeeze %dma_wait3A_32 : memref<1x32xi32, #tpu.memory_space<hbm>> -> memref<32xi32, #tpu.memory_space<hbm>>
    tpu.wait_dma2 semaphore(%arg12 : memref<!tpu.dma_semaphore, #tpu.memory_space<semaphore_mem>>) src(%dma_wait3A_33 : memref<32xi32, #tpu.memory_space<hbm>>) dst(%arg8 : memref<32xi32, #tpu.memory_space<vmem>>)
    %dma_start3A_34 = arith.constant 0 : i32
    %dma_start3A_35 = arith.constant 0 : i32
    %dma_start3A_36 = tpu.memref_slice %arg2[%dma_start3A_34, %dma_start3A_35] : memref<6144x512xi32, #tpu.memory_space<hbm>> -> memref<6144x512xi32, #tpu.memory_space<hbm>>
    tpu.enqueue_indirect_dma source(%dma_start3A_36 : memref<6144x512xi32, #tpu.memory_space<hbm>>) target(%arg5 : memref<32x512xi32, #tpu.memory_space<vmem>>) offsets(%arg8 : memref<32xi32, #tpu.memory_space<vmem>>) semaphore(%arg13 : memref<!tpu.dma_semaphore, #tpu.memory_space<semaphore_mem>>)
    %dma_wait3A_37 = arith.constant 0 : i32
    %dma_wait3A_38 = tpu.memref_slice %arg3[%dma_wait3A_37, %add3A_10] : memref<8x2048xi32, #tpu.memory_space<hbm>> -> memref<1x32xi32, #tpu.memory_space<hbm>>
    %dma_wait3A_39 = tpu.memref_squeeze %dma_wait3A_38 : memref<1x32xi32, #tpu.memory_space<hbm>> -> memref<32xi32, #tpu.memory_space<hbm>>
    %dma_wait3A_40 = tpu.memref_slice %arg3[%dma_wait3A_37, %add3A_10] : memref<8x2048xi32, #tpu.memory_space<hbm>> -> memref<1x32xi32, #tpu.memory_space<hbm>>
    %dma_wait3A_41 = tpu.memref_squeeze %dma_wait3A_40 : memref<1x32xi32, #tpu.memory_space<hbm>> -> memref<32xi32, #tpu.memory_space<hbm>>
    tpu.wait_dma2 semaphore(%arg12 : memref<!tpu.dma_semaphore, #tpu.memory_space<semaphore_mem>>) src(%dma_wait3A_41 : memref<32xi32, #tpu.memory_space<hbm>>) dst(%arg9 : memref<32xi32, #tpu.memory_space<vmem>>)
    %dma_start3A_42 = arith.constant 0 : i32
    %dma_start3A_43 = arith.constant 0 : i32
    %dma_start3A_44 = tpu.memref_slice %arg2[%dma_start3A_42, %dma_start3A_43] : memref<6144x512xi32, #tpu.memory_space<hbm>> -> memref<6144x512xi32, #tpu.memory_space<hbm>>
    tpu.enqueue_indirect_dma source(%dma_start3A_44 : memref<6144x512xi32, #tpu.memory_space<hbm>>) target(%arg6 : memref<32x512xi32, #tpu.memory_space<vmem>>) offsets(%arg9 : memref<32xi32, #tpu.memory_space<vmem>>) semaphore(%arg13 : memref<!tpu.dma_semaphore, #tpu.memory_space<semaphore_mem>>)
    %dma_wait3A_45 = arith.constant 1 : i32
    %dma_wait3A_46 = tpu.memref_slice %arg3[%dma_wait3A_45, %add3A_17] : memref<8x2048xi32, #tpu.memory_space<hbm>> -> memref<1x32xi32, #tpu.memory_space<hbm>>
    %dma_wait3A_47 = tpu.memref_squeeze %dma_wait3A_46 : memref<1x32xi32, #tpu.memory_space<hbm>> -> memref<32xi32, #tpu.memory_space<hbm>>
    %dma_wait3A_48 = tpu.memref_slice %arg3[%dma_wait3A_45, %add3A_17] : memref<8x2048xi32, #tpu.memory_space<hbm>> -> memref<1x32xi32, #tpu.memory_space<hbm>>
    %dma_wait3A_49 = tpu.memref_squeeze %dma_wait3A_48 : memref<1x32xi32, #tpu.memory_space<hbm>> -> memref<32xi32, #tpu.memory_space<hbm>>
    tpu.wait_dma2 semaphore(%arg12 : memref<!tpu.dma_semaphore, #tpu.memory_space<semaphore_mem>>) src(%dma_wait3A_49 : memref<32xi32, #tpu.memory_space<hbm>>) dst(%arg10 : memref<32xi32, #tpu.memory_space<vmem>>)
    %dma_start3A_50 = arith.constant 0 : i32
    %dma_start3A_51 = arith.constant 0 : i32
    %dma_start3A_52 = tpu.memref_slice %arg2[%dma_start3A_50, %dma_start3A_51] : memref<6144x512xi32, #tpu.memory_space<hbm>> -> memref<6144x512xi32, #tpu.memory_space<hbm>>
    tpu.enqueue_indirect_dma source(%dma_start3A_52 : memref<6144x512xi32, #tpu.memory_space<hbm>>) target(%arg7 : memref<32x512xi32, #tpu.memory_space<vmem>>) offsets(%arg10 : memref<32xi32, #tpu.memory_space<vmem>>) semaphore(%arg13 : memref<!tpu.dma_semaphore, #tpu.memory_space<semaphore_mem>>)
    %dma_wait3A_53 = arith.constant 0 : i32
    %dma_wait3A_54 = arith.constant 0 : i32
    %dma_wait3A_55 = tpu.memref_slice %arg2[%dma_wait3A_53, %dma_wait3A_54] : memref<6144x512xi32, #tpu.memory_space<hbm>> -> memref<6144x512xi32, #tpu.memory_space<hbm>>
    tpu.wait_indirect_dma semaphore(%arg13 : memref<!tpu.dma_semaphore, #tpu.memory_space<semaphore_mem>>) src(%dma_wait3A_55 : memref<6144x512xi32, #tpu.memory_space<hbm>>) dst(%arg5 : memref<32x512xi32, #tpu.memory_space<vmem>>)
    %add3A_56 = arith.constant 0 : i32
    %add3A_57 = arith.addi %add3A_56, %mul3A_2 : i32
    %add3A_58 = arith.constant 0 : i32
    %add3A_59 = arith.addi %add3A_57, %add3A_58 : i32
    %dma_start3A_60 = arith.constant 0 : i32
    %dma_start3A_61 = tpu.memref_slice %arg4[%add3A_59, %dma_start3A_60] : memref<4096x512xi32, #tpu.memory_space<hbm>> -> memref<32x512xi32, #tpu.memory_space<hbm>>
    %dma_start3A_62 = arith.constant 0 : i32
    %dma_start3A_63 = tpu.memref_slice %arg4[%add3A_59, %dma_start3A_62] : memref<4096x512xi32, #tpu.memory_space<hbm>> -> memref<32x512xi32, #tpu.memory_space<hbm>>
    tpu.enqueue_dma source(%arg5 : memref<32x512xi32, #tpu.memory_space<vmem>>) target(%dma_start3A_63 : memref<32x512xi32, #tpu.memory_space<hbm>>) target_semaphore(%arg14 : memref<!tpu.dma_semaphore, #tpu.memory_space<semaphore_mem>>)
    %dma_wait3A_64 = arith.constant 0 : i32
    %dma_wait3A_65 = arith.constant 0 : i32
    %dma_wait3A_66 = tpu.memref_slice %arg2[%dma_wait3A_64, %dma_wait3A_65] : memref<6144x512xi32, #tpu.memory_space<hbm>> -> memref<6144x512xi32, #tpu.memory_space<hbm>>
    tpu.wait_indirect_dma semaphore(%arg13 : memref<!tpu.dma_semaphore, #tpu.memory_space<semaphore_mem>>) src(%dma_wait3A_66 : memref<6144x512xi32, #tpu.memory_space<hbm>>) dst(%arg6 : memref<32x512xi32, #tpu.memory_space<vmem>>)
    %add3A_67 = arith.constant 0 : i32
    %add3A_68 = arith.addi %add3A_67, %mul3A_2 : i32
    %add3A_69 = arith.constant 32 : i32
    %add3A_70 = arith.addi %add3A_68, %add3A_69 : i32
    %dma_start3A_71 = arith.constant 0 : i32
    %dma_start3A_72 = tpu.memref_slice %arg4[%add3A_70, %dma_start3A_71] : memref<4096x512xi32, #tpu.memory_space<hbm>> -> memref<32x512xi32, #tpu.memory_space<hbm>>
    %dma_start3A_73 = arith.constant 0 : i32
    %dma_start3A_74 = tpu.memref_slice %arg4[%add3A_70, %dma_start3A_73] : memref<4096x512xi32, #tpu.memory_space<hbm>> -> memref<32x512xi32, #tpu.memory_space<hbm>>
    tpu.enqueue_dma source(%arg6 : memref<32x512xi32, #tpu.memory_space<vmem>>) target(%dma_start3A_74 : memref<32x512xi32, #tpu.memory_space<hbm>>) target_semaphore(%arg14 : memref<!tpu.dma_semaphore, #tpu.memory_space<semaphore_mem>>)
    %dma_wait3A_75 = arith.constant 0 : i32
    %dma_wait3A_76 = tpu.memref_slice %arg4[%add3A_59, %dma_wait3A_75] : memref<4096x512xi32, #tpu.memory_space<hbm>> -> memref<32x512xi32, #tpu.memory_space<hbm>>
    %dma_wait3A_77 = arith.constant 0 : i32
    %dma_wait3A_78 = tpu.memref_slice %arg4[%add3A_59, %dma_wait3A_77] : memref<4096x512xi32, #tpu.memory_space<hbm>> -> memref<32x512xi32, #tpu.memory_space<hbm>>
    tpu.wait_dma2 semaphore(%arg14 : memref<!tpu.dma_semaphore, #tpu.memory_space<semaphore_mem>>) src(%arg5 : memref<32x512xi32, #tpu.memory_space<vmem>>) dst(%dma_wait3A_78 : memref<32x512xi32, #tpu.memory_space<hbm>>)
    %dma_wait3A_79 = arith.constant 1 : i32
    %dma_wait3A_80 = tpu.memref_slice %arg3[%dma_wait3A_79, %add3A_24] : memref<8x2048xi32, #tpu.memory_space<hbm>> -> memref<1x32xi32, #tpu.memory_space<hbm>>
    %dma_wait3A_81 = tpu.memref_squeeze %dma_wait3A_80 : memref<1x32xi32, #tpu.memory_space<hbm>> -> memref<32xi32, #tpu.memory_space<hbm>>
    %dma_wait3A_82 = tpu.memref_slice %arg3[%dma_wait3A_79, %add3A_24] : memref<8x2048xi32, #tpu.memory_space<hbm>> -> memref<1x32xi32, #tpu.memory_space<hbm>>
    %dma_wait3A_83 = tpu.memref_squeeze %dma_wait3A_82 : memref<1x32xi32, #tpu.memory_space<hbm>> -> memref<32xi32, #tpu.memory_space<hbm>>
    tpu.wait_dma2 semaphore(%arg12 : memref<!tpu.dma_semaphore, #tpu.memory_space<semaphore_mem>>) src(%dma_wait3A_83 : memref<32xi32, #tpu.memory_space<hbm>>) dst(%arg11 : memref<32xi32, #tpu.memory_space<vmem>>)
    %dma_start3A_84 = arith.constant 0 : i32
    %dma_start3A_85 = arith.constant 0 : i32
    %dma_start3A_86 = tpu.memref_slice %arg2[%dma_start3A_84, %dma_start3A_85] : memref<6144x512xi32, #tpu.memory_space<hbm>> -> memref<6144x512xi32, #tpu.memory_space<hbm>>
    tpu.enqueue_indirect_dma source(%dma_start3A_86 : memref<6144x512xi32, #tpu.memory_space<hbm>>) target(%arg5 : memref<32x512xi32, #tpu.memory_space<vmem>>) offsets(%arg11 : memref<32xi32, #tpu.memory_space<vmem>>) semaphore(%arg13 : memref<!tpu.dma_semaphore, #tpu.memory_space<semaphore_mem>>)
    %dma_wait3A_87 = arith.constant 0 : i32
    %dma_wait3A_88 = arith.constant 0 : i32
    %dma_wait3A_89 = tpu.memref_slice %arg2[%dma_wait3A_87, %dma_wait3A_88] : memref<6144x512xi32, #tpu.memory_space<hbm>> -> memref<6144x512xi32, #tpu.memory_space<hbm>>
    tpu.wait_indirect_dma semaphore(%arg13 : memref<!tpu.dma_semaphore, #tpu.memory_space<semaphore_mem>>) src(%dma_wait3A_89 : memref<6144x512xi32, #tpu.memory_space<hbm>>) dst(%arg7 : memref<32x512xi32, #tpu.memory_space<vmem>>)
    %add3A_90 = arith.constant 2048 : i32
    %add3A_91 = arith.addi %add3A_90, %mul3A_2 : i32
    %add3A_92 = arith.constant 0 : i32
    %add3A_93 = arith.addi %add3A_91, %add3A_92 : i32
    %dma_start3A_94 = arith.constant 0 : i32
    %dma_start3A_95 = tpu.memref_slice %arg4[%add3A_93, %dma_start3A_94] : memref<4096x512xi32, #tpu.memory_space<hbm>> -> memref<32x512xi32, #tpu.memory_space<hbm>>
    %dma_start3A_96 = arith.constant 0 : i32
    %dma_start3A_97 = tpu.memref_slice %arg4[%add3A_93, %dma_start3A_96] : memref<4096x512xi32, #tpu.memory_space<hbm>> -> memref<32x512xi32, #tpu.memory_space<hbm>>
    tpu.enqueue_dma source(%arg7 : memref<32x512xi32, #tpu.memory_space<vmem>>) target(%dma_start3A_97 : memref<32x512xi32, #tpu.memory_space<hbm>>) target_semaphore(%arg14 : memref<!tpu.dma_semaphore, #tpu.memory_space<semaphore_mem>>)
    %dma_wait3A_98 = arith.constant 0 : i32
    %dma_wait3A_99 = arith.constant 0 : i32
    %dma_wait3A_100 = tpu.memref_slice %arg2[%dma_wait3A_98, %dma_wait3A_99] : memref<6144x512xi32, #tpu.memory_space<hbm>> -> memref<6144x512xi32, #tpu.memory_space<hbm>>
    tpu.wait_indirect_dma semaphore(%arg13 : memref<!tpu.dma_semaphore, #tpu.memory_space<semaphore_mem>>) src(%dma_wait3A_100 : memref<6144x512xi32, #tpu.memory_space<hbm>>) dst(%arg5 : memref<32x512xi32, #tpu.memory_space<vmem>>)
    %add3A_101 = arith.constant 2048 : i32
    %add3A_102 = arith.addi %add3A_101, %mul3A_2 : i32
    %add3A_103 = arith.constant 32 : i32
    %add3A_104 = arith.addi %add3A_102, %add3A_103 : i32
    %dma_start3A_105 = arith.constant 0 : i32
    %dma_start3A_106 = tpu.memref_slice %arg4[%add3A_104, %dma_start3A_105] : memref<4096x512xi32, #tpu.memory_space<hbm>> -> memref<32x512xi32, #tpu.memory_space<hbm>>
    %dma_start3A_107 = arith.constant 0 : i32
    %dma_start3A_108 = tpu.memref_slice %arg4[%add3A_104, %dma_start3A_107] : memref<4096x512xi32, #tpu.memory_space<hbm>> -> memref<32x512xi32, #tpu.memory_space<hbm>>
    tpu.enqueue_dma source(%arg5 : memref<32x512xi32, #tpu.memory_space<vmem>>) target(%dma_start3A_108 : memref<32x512xi32, #tpu.memory_space<hbm>>) target_semaphore(%arg14 : memref<!tpu.dma_semaphore, #tpu.memory_space<semaphore_mem>>)
    %dma_wait3A_109 = arith.constant 0 : i32
    %dma_wait3A_110 = tpu.memref_slice %arg4[%add3A_70, %dma_wait3A_109] : memref<4096x512xi32, #tpu.memory_space<hbm>> -> memref<32x512xi32, #tpu.memory_space<hbm>>
    %dma_wait3A_111 = arith.constant 0 : i32
    %dma_wait3A_112 = tpu.memref_slice %arg4[%add3A_70, %dma_wait3A_111] : memref<4096x512xi32, #tpu.memory_space<hbm>> -> memref<32x512xi32, #tpu.memory_space<hbm>>
    tpu.wait_dma2 semaphore(%arg14 : memref<!tpu.dma_semaphore, #tpu.memory_space<semaphore_mem>>) src(%arg6 : memref<32x512xi32, #tpu.memory_space<vmem>>) dst(%dma_wait3A_112 : memref<32x512xi32, #tpu.memory_space<hbm>>)
    %dma_wait3A_113 = arith.constant 0 : i32
    %dma_wait3A_114 = tpu.memref_slice %arg4[%add3A_93, %dma_wait3A_113] : memref<4096x512xi32, #tpu.memory_space<hbm>> -> memref<32x512xi32, #tpu.memory_space<hbm>>
    %dma_wait3A_115 = arith.constant 0 : i32
    %dma_wait3A_116 = tpu.memref_slice %arg4[%add3A_93, %dma_wait3A_115] : memref<4096x512xi32, #tpu.memory_space<hbm>> -> memref<32x512xi32, #tpu.memory_space<hbm>>
    tpu.wait_dma2 semaphore(%arg14 : memref<!tpu.dma_semaphore, #tpu.memory_space<semaphore_mem>>) src(%arg7 : memref<32x512xi32, #tpu.memory_space<vmem>>) dst(%dma_wait3A_116 : memref<32x512xi32, #tpu.memory_space<hbm>>)
    %dma_wait3A_117 = arith.constant 0 : i32
    %dma_wait3A_118 = tpu.memref_slice %arg4[%add3A_104, %dma_wait3A_117] : memref<4096x512xi32, #tpu.memory_space<hbm>> -> memref<32x512xi32, #tpu.memory_space<hbm>>
    %dma_wait3A_119 = arith.constant 0 : i32
    %dma_wait3A_120 = tpu.memref_slice %arg4[%add3A_104, %dma_wait3A_119] : memref<4096x512xi32, #tpu.memory_space<hbm>> -> memref<32x512xi32, #tpu.memory_space<hbm>>
    tpu.wait_dma2 semaphore(%arg14 : memref<!tpu.dma_semaphore, #tpu.memory_space<semaphore_mem>>) src(%arg5 : memref<32x512xi32, #tpu.memory_space<vmem>>) dst(%dma_wait3A_120 : memref<32x512xi32, #tpu.memory_space<hbm>>)
    return
  }
}

#map = affine_map<(d0, d1) -> (0, 0)>
module attributes {stable_mosaic.version = 14 : i64} {
  func.func @dispatch_k(%arg0: i32, %arg1: i32, %arg2: memref<2048x512xi32, #tpu.memory_space<hbm>>, %arg3: memref<8x2048xi32, #tpu.memory_space<hbm>>, %arg4: memref<6144x512xi32, #tpu.memory_space<hbm>>, %arg5: memref<32x512xi32, #tpu.memory_space<vmem>>, %arg6: memref<32x512xi32, #tpu.memory_space<vmem>>, %arg7: memref<32xi32, #tpu.memory_space<vmem>>, %arg8: memref<32xi32, #tpu.memory_space<vmem>>, %arg9: memref<32xi32, #tpu.memory_space<vmem>>, %arg10: memref<32xi32, #tpu.memory_space<vmem>>, %arg11: memref<!tpu.dma_semaphore, #tpu.memory_space<semaphore_mem>>, %arg12: memref<!tpu.dma_semaphore, #tpu.memory_space<semaphore_mem>>, %arg13: memref<!tpu.dma_semaphore, #tpu.memory_space<semaphore_mem>>) attributes {dimension_semantics = [#tpu.dimension_semantics<core_parallel>, #tpu.dimension_semantics<subcore_parallel>], iteration_bounds = array<i64: 2, 16>, scalar_prefetch = 0 : i64, scratch_operands = 9 : i64, tpu.core_type = #tpu.core_type<sc_vector_subcore>, window_params = [{transform_indices = #map}, {transform_indices = #map}, {transform_indices = #map}]} {
    %mul3A = arith.constant 2 : i32
    %mul3A_0 = arith.muli %arg1, %mul3A : i32
    %add3A = arith.addi %mul3A_0, %arg0 : i32
    %mul3A_1 = arith.constant 64 : i32
    %mul3A_2 = arith.muli %add3A, %mul3A_1 : i32
    %dma_start3A = arith.constant 0 : i32
    %dma_start3A_3 = tpu.memref_slice %arg3[%dma_start3A, %mul3A_2] : memref<8x2048xi32, #tpu.memory_space<hbm>> -> memref<1x32xi32, #tpu.memory_space<hbm>>
    %dma_start3A_4 = tpu.memref_squeeze %dma_start3A_3 : memref<1x32xi32, #tpu.memory_space<hbm>> -> memref<32xi32, #tpu.memory_space<hbm>>
    %dma_start3A_5 = tpu.memref_slice %arg3[%dma_start3A, %mul3A_2] : memref<8x2048xi32, #tpu.memory_space<hbm>> -> memref<1x32xi32, #tpu.memory_space<hbm>>
    %dma_start3A_6 = tpu.memref_squeeze %dma_start3A_5 : memref<1x32xi32, #tpu.memory_space<hbm>> -> memref<32xi32, #tpu.memory_space<hbm>>
    tpu.enqueue_dma source(%dma_start3A_6 : memref<32xi32, #tpu.memory_space<hbm>>) target(%arg7 : memref<32xi32, #tpu.memory_space<vmem>>) target_semaphore(%arg12 : memref<!tpu.dma_semaphore, #tpu.memory_space<semaphore_mem>>)
    %dma_start3A_7 = arith.constant 1 : i32
    %dma_start3A_8 = tpu.memref_slice %arg3[%dma_start3A_7, %mul3A_2] : memref<8x2048xi32, #tpu.memory_space<hbm>> -> memref<1x32xi32, #tpu.memory_space<hbm>>
    %dma_start3A_9 = tpu.memref_squeeze %dma_start3A_8 : memref<1x32xi32, #tpu.memory_space<hbm>> -> memref<32xi32, #tpu.memory_space<hbm>>
    %dma_start3A_10 = tpu.memref_slice %arg3[%dma_start3A_7, %mul3A_2] : memref<8x2048xi32, #tpu.memory_space<hbm>> -> memref<1x32xi32, #tpu.memory_space<hbm>>
    %dma_start3A_11 = tpu.memref_squeeze %dma_start3A_10 : memref<1x32xi32, #tpu.memory_space<hbm>> -> memref<32xi32, #tpu.memory_space<hbm>>
    tpu.enqueue_dma source(%dma_start3A_11 : memref<32xi32, #tpu.memory_space<hbm>>) target(%arg9 : memref<32xi32, #tpu.memory_space<vmem>>) target_semaphore(%arg13 : memref<!tpu.dma_semaphore, #tpu.memory_space<semaphore_mem>>)
    %add3A_12 = arith.constant 32 : i32
    %add3A_13 = arith.addi %mul3A_2, %add3A_12 : i32
    %dma_start3A_14 = arith.constant 0 : i32
    %dma_start3A_15 = tpu.memref_slice %arg3[%dma_start3A_14, %add3A_13] : memref<8x2048xi32, #tpu.memory_space<hbm>> -> memref<1x32xi32, #tpu.memory_space<hbm>>
    %dma_start3A_16 = tpu.memref_squeeze %dma_start3A_15 : memref<1x32xi32, #tpu.memory_space<hbm>> -> memref<32xi32, #tpu.memory_space<hbm>>
    %dma_start3A_17 = tpu.memref_slice %arg3[%dma_start3A_14, %add3A_13] : memref<8x2048xi32, #tpu.memory_space<hbm>> -> memref<1x32xi32, #tpu.memory_space<hbm>>
    %dma_start3A_18 = tpu.memref_squeeze %dma_start3A_17 : memref<1x32xi32, #tpu.memory_space<hbm>> -> memref<32xi32, #tpu.memory_space<hbm>>
    tpu.enqueue_dma source(%dma_start3A_18 : memref<32xi32, #tpu.memory_space<hbm>>) target(%arg8 : memref<32xi32, #tpu.memory_space<vmem>>) target_semaphore(%arg12 : memref<!tpu.dma_semaphore, #tpu.memory_space<semaphore_mem>>)
    %add3A_19 = arith.constant 32 : i32
    %add3A_20 = arith.addi %mul3A_2, %add3A_19 : i32
    %dma_start3A_21 = arith.constant 1 : i32
    %dma_start3A_22 = tpu.memref_slice %arg3[%dma_start3A_21, %add3A_20] : memref<8x2048xi32, #tpu.memory_space<hbm>> -> memref<1x32xi32, #tpu.memory_space<hbm>>
    %dma_start3A_23 = tpu.memref_squeeze %dma_start3A_22 : memref<1x32xi32, #tpu.memory_space<hbm>> -> memref<32xi32, #tpu.memory_space<hbm>>
    %dma_start3A_24 = tpu.memref_slice %arg3[%dma_start3A_21, %add3A_20] : memref<8x2048xi32, #tpu.memory_space<hbm>> -> memref<1x32xi32, #tpu.memory_space<hbm>>
    %dma_start3A_25 = tpu.memref_squeeze %dma_start3A_24 : memref<1x32xi32, #tpu.memory_space<hbm>> -> memref<32xi32, #tpu.memory_space<hbm>>
    tpu.enqueue_dma source(%dma_start3A_25 : memref<32xi32, #tpu.memory_space<hbm>>) target(%arg10 : memref<32xi32, #tpu.memory_space<vmem>>) target_semaphore(%arg13 : memref<!tpu.dma_semaphore, #tpu.memory_space<semaphore_mem>>)
    %dma_start3A_26 = arith.constant 0 : i32
    %dma_start3A_27 = tpu.memref_slice %arg2[%mul3A_2, %dma_start3A_26] : memref<2048x512xi32, #tpu.memory_space<hbm>> -> memref<32x512xi32, #tpu.memory_space<hbm>>
    %dma_start3A_28 = arith.constant 0 : i32
    %dma_start3A_29 = tpu.memref_slice %arg2[%mul3A_2, %dma_start3A_28] : memref<2048x512xi32, #tpu.memory_space<hbm>> -> memref<32x512xi32, #tpu.memory_space<hbm>>
    tpu.enqueue_dma source(%dma_start3A_29 : memref<32x512xi32, #tpu.memory_space<hbm>>) target(%arg5 : memref<32x512xi32, #tpu.memory_space<vmem>>) target_semaphore(%arg11 : memref<!tpu.dma_semaphore, #tpu.memory_space<semaphore_mem>>)
    %add3A_30 = arith.constant 32 : i32
    %add3A_31 = arith.addi %mul3A_2, %add3A_30 : i32
    %dma_start3A_32 = arith.constant 0 : i32
    %dma_start3A_33 = tpu.memref_slice %arg2[%add3A_31, %dma_start3A_32] : memref<2048x512xi32, #tpu.memory_space<hbm>> -> memref<32x512xi32, #tpu.memory_space<hbm>>
    %dma_start3A_34 = arith.constant 0 : i32
    %dma_start3A_35 = tpu.memref_slice %arg2[%add3A_31, %dma_start3A_34] : memref<2048x512xi32, #tpu.memory_space<hbm>> -> memref<32x512xi32, #tpu.memory_space<hbm>>
    tpu.enqueue_dma source(%dma_start3A_35 : memref<32x512xi32, #tpu.memory_space<hbm>>) target(%arg6 : memref<32x512xi32, #tpu.memory_space<vmem>>) target_semaphore(%arg11 : memref<!tpu.dma_semaphore, #tpu.memory_space<semaphore_mem>>)
    %dma_wait3A = arith.constant 0 : i32
    %dma_wait3A_36 = tpu.memref_slice %arg3[%dma_wait3A, %mul3A_2] : memref<8x2048xi32, #tpu.memory_space<hbm>> -> memref<1x32xi32, #tpu.memory_space<hbm>>
    %dma_wait3A_37 = tpu.memref_squeeze %dma_wait3A_36 : memref<1x32xi32, #tpu.memory_space<hbm>> -> memref<32xi32, #tpu.memory_space<hbm>>
    %dma_wait3A_38 = tpu.memref_slice %arg3[%dma_wait3A, %mul3A_2] : memref<8x2048xi32, #tpu.memory_space<hbm>> -> memref<1x32xi32, #tpu.memory_space<hbm>>
    %dma_wait3A_39 = tpu.memref_squeeze %dma_wait3A_38 : memref<1x32xi32, #tpu.memory_space<hbm>> -> memref<32xi32, #tpu.memory_space<hbm>>
    tpu.wait_dma2 semaphore(%arg12 : memref<!tpu.dma_semaphore, #tpu.memory_space<semaphore_mem>>) src(%dma_wait3A_39 : memref<32xi32, #tpu.memory_space<hbm>>) dst(%arg7 : memref<32xi32, #tpu.memory_space<vmem>>)
    %dma_wait3A_40 = arith.constant 1 : i32
    %dma_wait3A_41 = tpu.memref_slice %arg3[%dma_wait3A_40, %mul3A_2] : memref<8x2048xi32, #tpu.memory_space<hbm>> -> memref<1x32xi32, #tpu.memory_space<hbm>>
    %dma_wait3A_42 = tpu.memref_squeeze %dma_wait3A_41 : memref<1x32xi32, #tpu.memory_space<hbm>> -> memref<32xi32, #tpu.memory_space<hbm>>
    %dma_wait3A_43 = tpu.memref_slice %arg3[%dma_wait3A_40, %mul3A_2] : memref<8x2048xi32, #tpu.memory_space<hbm>> -> memref<1x32xi32, #tpu.memory_space<hbm>>
    %dma_wait3A_44 = tpu.memref_squeeze %dma_wait3A_43 : memref<1x32xi32, #tpu.memory_space<hbm>> -> memref<32xi32, #tpu.memory_space<hbm>>
    tpu.wait_dma2 semaphore(%arg13 : memref<!tpu.dma_semaphore, #tpu.memory_space<semaphore_mem>>) src(%dma_wait3A_44 : memref<32xi32, #tpu.memory_space<hbm>>) dst(%arg9 : memref<32xi32, #tpu.memory_space<vmem>>)
    %dma_wait3A_45 = arith.constant 0 : i32
    %dma_wait3A_46 = tpu.memref_slice %arg3[%dma_wait3A_45, %add3A_13] : memref<8x2048xi32, #tpu.memory_space<hbm>> -> memref<1x32xi32, #tpu.memory_space<hbm>>
    %dma_wait3A_47 = tpu.memref_squeeze %dma_wait3A_46 : memref<1x32xi32, #tpu.memory_space<hbm>> -> memref<32xi32, #tpu.memory_space<hbm>>
    %dma_wait3A_48 = tpu.memref_slice %arg3[%dma_wait3A_45, %add3A_13] : memref<8x2048xi32, #tpu.memory_space<hbm>> -> memref<1x32xi32, #tpu.memory_space<hbm>>
    %dma_wait3A_49 = tpu.memref_squeeze %dma_wait3A_48 : memref<1x32xi32, #tpu.memory_space<hbm>> -> memref<32xi32, #tpu.memory_space<hbm>>
    tpu.wait_dma2 semaphore(%arg12 : memref<!tpu.dma_semaphore, #tpu.memory_space<semaphore_mem>>) src(%dma_wait3A_49 : memref<32xi32, #tpu.memory_space<hbm>>) dst(%arg8 : memref<32xi32, #tpu.memory_space<vmem>>)
    %dma_wait3A_50 = arith.constant 1 : i32
    %dma_wait3A_51 = tpu.memref_slice %arg3[%dma_wait3A_50, %add3A_20] : memref<8x2048xi32, #tpu.memory_space<hbm>> -> memref<1x32xi32, #tpu.memory_space<hbm>>
    %dma_wait3A_52 = tpu.memref_squeeze %dma_wait3A_51 : memref<1x32xi32, #tpu.memory_space<hbm>> -> memref<32xi32, #tpu.memory_space<hbm>>
    %dma_wait3A_53 = tpu.memref_slice %arg3[%dma_wait3A_50, %add3A_20] : memref<8x2048xi32, #tpu.memory_space<hbm>> -> memref<1x32xi32, #tpu.memory_space<hbm>>
    %dma_wait3A_54 = tpu.memref_squeeze %dma_wait3A_53 : memref<1x32xi32, #tpu.memory_space<hbm>> -> memref<32xi32, #tpu.memory_space<hbm>>
    tpu.wait_dma2 semaphore(%arg13 : memref<!tpu.dma_semaphore, #tpu.memory_space<semaphore_mem>>) src(%dma_wait3A_54 : memref<32xi32, #tpu.memory_space<hbm>>) dst(%arg10 : memref<32xi32, #tpu.memory_space<vmem>>)
    %dma_wait3A_55 = arith.constant 0 : i32
    %dma_wait3A_56 = tpu.memref_slice %arg2[%mul3A_2, %dma_wait3A_55] : memref<2048x512xi32, #tpu.memory_space<hbm>> -> memref<32x512xi32, #tpu.memory_space<hbm>>
    %dma_wait3A_57 = arith.constant 0 : i32
    %dma_wait3A_58 = tpu.memref_slice %arg2[%mul3A_2, %dma_wait3A_57] : memref<2048x512xi32, #tpu.memory_space<hbm>> -> memref<32x512xi32, #tpu.memory_space<hbm>>
    tpu.wait_dma2 semaphore(%arg11 : memref<!tpu.dma_semaphore, #tpu.memory_space<semaphore_mem>>) src(%dma_wait3A_58 : memref<32x512xi32, #tpu.memory_space<hbm>>) dst(%arg5 : memref<32x512xi32, #tpu.memory_space<vmem>>)
    %dma_start3A_59 = arith.constant 0 : i32
    %dma_start3A_60 = arith.constant 0 : i32
    %dma_start3A_61 = tpu.memref_slice %arg4[%dma_start3A_59, %dma_start3A_60] : memref<6144x512xi32, #tpu.memory_space<hbm>> -> memref<6144x512xi32, #tpu.memory_space<hbm>>
    tpu.enqueue_indirect_dma source(%arg5 : memref<32x512xi32, #tpu.memory_space<vmem>>) target(%dma_start3A_61 : memref<6144x512xi32, #tpu.memory_space<hbm>>) offsets(%arg7 : memref<32xi32, #tpu.memory_space<vmem>>) semaphore(%arg12 : memref<!tpu.dma_semaphore, #tpu.memory_space<semaphore_mem>>)
    %dma_start3A_62 = arith.constant 0 : i32
    %dma_start3A_63 = arith.constant 0 : i32
    %dma_start3A_64 = tpu.memref_slice %arg4[%dma_start3A_62, %dma_start3A_63] : memref<6144x512xi32, #tpu.memory_space<hbm>> -> memref<6144x512xi32, #tpu.memory_space<hbm>>
    tpu.enqueue_indirect_dma source(%arg5 : memref<32x512xi32, #tpu.memory_space<vmem>>) target(%dma_start3A_64 : memref<6144x512xi32, #tpu.memory_space<hbm>>) offsets(%arg9 : memref<32xi32, #tpu.memory_space<vmem>>) semaphore(%arg13 : memref<!tpu.dma_semaphore, #tpu.memory_space<semaphore_mem>>)
    %dma_wait3A_65 = arith.constant 0 : i32
    %dma_wait3A_66 = tpu.memref_slice %arg2[%add3A_31, %dma_wait3A_65] : memref<2048x512xi32, #tpu.memory_space<hbm>> -> memref<32x512xi32, #tpu.memory_space<hbm>>
    %dma_wait3A_67 = arith.constant 0 : i32
    %dma_wait3A_68 = tpu.memref_slice %arg2[%add3A_31, %dma_wait3A_67] : memref<2048x512xi32, #tpu.memory_space<hbm>> -> memref<32x512xi32, #tpu.memory_space<hbm>>
    tpu.wait_dma2 semaphore(%arg11 : memref<!tpu.dma_semaphore, #tpu.memory_space<semaphore_mem>>) src(%dma_wait3A_68 : memref<32x512xi32, #tpu.memory_space<hbm>>) dst(%arg6 : memref<32x512xi32, #tpu.memory_space<vmem>>)
    %dma_start3A_69 = arith.constant 0 : i32
    %dma_start3A_70 = arith.constant 0 : i32
    %dma_start3A_71 = tpu.memref_slice %arg4[%dma_start3A_69, %dma_start3A_70] : memref<6144x512xi32, #tpu.memory_space<hbm>> -> memref<6144x512xi32, #tpu.memory_space<hbm>>
    tpu.enqueue_indirect_dma source(%arg6 : memref<32x512xi32, #tpu.memory_space<vmem>>) target(%dma_start3A_71 : memref<6144x512xi32, #tpu.memory_space<hbm>>) offsets(%arg8 : memref<32xi32, #tpu.memory_space<vmem>>) semaphore(%arg12 : memref<!tpu.dma_semaphore, #tpu.memory_space<semaphore_mem>>)
    %dma_start3A_72 = arith.constant 0 : i32
    %dma_start3A_73 = arith.constant 0 : i32
    %dma_start3A_74 = tpu.memref_slice %arg4[%dma_start3A_72, %dma_start3A_73] : memref<6144x512xi32, #tpu.memory_space<hbm>> -> memref<6144x512xi32, #tpu.memory_space<hbm>>
    tpu.enqueue_indirect_dma source(%arg6 : memref<32x512xi32, #tpu.memory_space<vmem>>) target(%dma_start3A_74 : memref<6144x512xi32, #tpu.memory_space<hbm>>) offsets(%arg10 : memref<32xi32, #tpu.memory_space<vmem>>) semaphore(%arg13 : memref<!tpu.dma_semaphore, #tpu.memory_space<semaphore_mem>>)
    %dma_wait3A_75 = arith.constant 0 : i32
    %dma_wait3A_76 = arith.constant 0 : i32
    %dma_wait3A_77 = tpu.memref_slice %arg4[%dma_wait3A_75, %dma_wait3A_76] : memref<6144x512xi32, #tpu.memory_space<hbm>> -> memref<6144x512xi32, #tpu.memory_space<hbm>>
    tpu.wait_indirect_dma semaphore(%arg12 : memref<!tpu.dma_semaphore, #tpu.memory_space<semaphore_mem>>) src(%arg5 : memref<32x512xi32, #tpu.memory_space<vmem>>) dst(%dma_wait3A_77 : memref<6144x512xi32, #tpu.memory_space<hbm>>)
    %dma_wait3A_78 = arith.constant 0 : i32
    %dma_wait3A_79 = arith.constant 0 : i32
    %dma_wait3A_80 = tpu.memref_slice %arg4[%dma_wait3A_78, %dma_wait3A_79] : memref<6144x512xi32, #tpu.memory_space<hbm>> -> memref<6144x512xi32, #tpu.memory_space<hbm>>
    tpu.wait_indirect_dma semaphore(%arg13 : memref<!tpu.dma_semaphore, #tpu.memory_space<semaphore_mem>>) src(%arg5 : memref<32x512xi32, #tpu.memory_space<vmem>>) dst(%dma_wait3A_80 : memref<6144x512xi32, #tpu.memory_space<hbm>>)
    %dma_wait3A_81 = arith.constant 0 : i32
    %dma_wait3A_82 = arith.constant 0 : i32
    %dma_wait3A_83 = tpu.memref_slice %arg4[%dma_wait3A_81, %dma_wait3A_82] : memref<6144x512xi32, #tpu.memory_space<hbm>> -> memref<6144x512xi32, #tpu.memory_space<hbm>>
    tpu.wait_indirect_dma semaphore(%arg12 : memref<!tpu.dma_semaphore, #tpu.memory_space<semaphore_mem>>) src(%arg6 : memref<32x512xi32, #tpu.memory_space<vmem>>) dst(%dma_wait3A_83 : memref<6144x512xi32, #tpu.memory_space<hbm>>)
    %dma_wait3A_84 = arith.constant 0 : i32
    %dma_wait3A_85 = arith.constant 0 : i32
    %dma_wait3A_86 = tpu.memref_slice %arg4[%dma_wait3A_84, %dma_wait3A_85] : memref<6144x512xi32, #tpu.memory_space<hbm>> -> memref<6144x512xi32, #tpu.memory_space<hbm>>
    tpu.wait_indirect_dma semaphore(%arg13 : memref<!tpu.dma_semaphore, #tpu.memory_space<semaphore_mem>>) src(%arg6 : memref<32x512xi32, #tpu.memory_space<vmem>>) dst(%dma_wait3A_86 : memref<6144x512xi32, #tpu.memory_space<hbm>>)
    return
  }
}

module attributes {stable_mosaic.version = 14 : i64} {
  func.func @_router_body(%arg0: i32, %arg1: i32, %arg2: memref<512x1024xf32, #tpu.memory_space<vmem>>, %arg3: memref<1024x8xf32, #tpu.memory_space<vmem>>, %arg4: memref<1x8xf32, #tpu.memory_space<vmem>>, %arg5: memref<8x512xi32, #tpu.memory_space<vmem>>, %arg6: memref<8x512xf32, #tpu.memory_space<vmem>>, %arg7: memref<1x128xi32, #tpu.memory_space<vmem>>, %arg8: memref<512x512xi32, #tpu.memory_space<vmem>>, %arg9: memref<1x8xf32, #tpu.memory_space<vmem>>, %arg10: memref<1x8xf32, #tpu.memory_space<vmem>>) attributes {dimension_semantics = [#tpu.dimension_semantics<arbitrary>, #tpu.dimension_semantics<arbitrary>], iteration_bounds = array<i64: 2, 4>, scalar_prefetch = 0 : i64, scratch_operands = 2 : i64, tpu.core_type = #tpu.core_type<tc>, window_params = [{transform_indices = @transform_0, window_bounds = array<i64: 512, 1024>}, {pipeline_mode = #tpu.pipeline_mode<synchronous>, transform_indices = @transform_1, window_bounds = array<i64: 1024, 8>}, {pipeline_mode = #tpu.pipeline_mode<synchronous>, transform_indices = @transform_2, window_bounds = array<i64: 1, 8>}, {transform_indices = @transform_3, window_bounds = array<i64: 8, 512>}, {transform_indices = @transform_4, window_bounds = array<i64: 8, 512>}, {pipeline_mode = #tpu.pipeline_mode<synchronous>, transform_indices = @transform_5, window_bounds = array<i64: 1, 128>}, {transform_indices = @transform_6, window_bounds = array<i64: 512, 512>}]} {
    %get3A = arith.constant 0 : index
    %get3A_0 = arith.constant 0 : index
    %get3A_1 = vector.load %arg2[%get3A, %get3A_0] : memref<512x1024xf32, #tpu.memory_space<vmem>>, vector<512x1024xf32>
    %slice3A = vector.extract_strided_slice %get3A_1 {offsets = [0, 0], sizes = [512, 512], strides = [1, 1]} : vector<512x1024xf32> to vector<512x512xf32>
    %convert_element_type3A = arith.truncf %slice3A : vector<512x512xf32> to vector<512x512xbf16>
    %bitcast_convert_type3A = tpu.bitcast %convert_element_type3A : vector<512x512xbf16> -> vector<512x512xi16>
    %convert_element_type3A_2 = arith.extui %bitcast_convert_type3A : vector<512x512xi16> to vector<512x512xi32>
    %slice3A_3 = vector.extract_strided_slice %get3A_1 {offsets = [0, 512], sizes = [512, 512], strides = [1, 1]} : vector<512x1024xf32> to vector<512x512xf32>
    %convert_element_type3A_4 = arith.truncf %slice3A_3 : vector<512x512xf32> to vector<512x512xbf16>
    %bitcast_convert_type3A_5 = tpu.bitcast %convert_element_type3A_4 : vector<512x512xbf16> -> vector<512x512xi16>
    %convert_element_type3A_6 = arith.extui %bitcast_convert_type3A_5 : vector<512x512xi16> to vector<512x512xi32>
    %shift_left3A = arith.constant 16 : i32
    %shift_left3A_7 = vector.broadcast %shift_left3A : i32 to vector<512x512xi32>
    %shift_left3A_8 = arith.shli %convert_element_type3A_6, %shift_left3A_7 : vector<512x512xi32>
    %or3A = arith.ori %convert_element_type3A_2, %shift_left3A_8 : vector<512x512xi32>
    %bitcast_convert_type3A_9 = tpu.bitcast %or3A : vector<512x512xi32> -> vector<512x512xi32>
    %swap3A = arith.constant 0 : index
    %swap3A_10 = arith.constant 0 : index
    %swap3A_11 = vector.load %arg8[%swap3A, %swap3A_10] : memref<512x512xi32, #tpu.memory_space<vmem>>, vector<512x512xi32>
    tpu.vector_store %arg8[%swap3A, %swap3A_10], %bitcast_convert_type3A_9 {strides = array<i32>} : memref<512x512xi32, #tpu.memory_space<vmem>>, vector<512x512xi32>,
    %get3A_12 = arith.constant 0 : index
    %get3A_13 = arith.constant 0 : index
    %get3A_14 = vector.load %arg3[%get3A_12, %get3A_13] : memref<1024x8xf32, #tpu.memory_space<vmem>>, vector<1024x8xf32>
    %dot_general3A = arith.constant dense<0.000000e+00> : vector<512x8xf32>
    %dot_general3A_15 = tpu.matmul %get3A_1, %get3A_14, %dot_general3A {dimension_numbers = #tpu.dot_dimension_numbers<[1], [0], [0], [1], [0, 0, 1, 1], [], []>, transpose_lhs_hint = false} : vector<512x1024xf32>, vector<1024x8xf32>, vector<512x8xf32> -> vector<512x8xf32>
    %reduce_max3A = arith.constant dense<0xFF800000> : vector<512xf32>
    %reduce_max3A_16 = vector.multi_reduction <maximumf>, %dot_general3A_15, %reduce_max3A [1] : vector<512x8xf32> to vector<512xf32>
    %max3A = arith.constant 0xFF800000 : f32
    %max3A_17 = vector.broadcast %max3A : f32 to vector<512xf32>
    %max3A_18 = arith.maximumf %max3A_17, %reduce_max3A_16 : vector<512xf32>
    %broadcast_in_dim3A = vector.shape_cast %max3A_18 : vector<512xf32> to vector<512x1xf32>
    %sub3A = vector.broadcast %broadcast_in_dim3A : vector<512x1xf32> to vector<512x8xf32>
    %sub3A_19 = arith.subf %dot_general3A_15, %sub3A : vector<512x8xf32>
    %exp3A = math.exp %sub3A_19 : vector<512x8xf32>
    %reduce_sum3A = arith.constant dense<0.000000e+00> : vector<512xf32>
    %reduce_sum3A_20 = vector.multi_reduction <add>, %exp3A, %reduce_sum3A [1] : vector<512x8xf32> to vector<512xf32>
    %broadcast_in_dim3A_21 = vector.shape_cast %reduce_sum3A_20 : vector<512xf32> to vector<512x1xf32>
    %div3A = vector.broadcast %broadcast_in_dim3A_21 : vector<512x1xf32> to vector<512x8xf32>
    %div3A_22 = arith.divf %exp3A, %div3A : vector<512x8xf32>
    %reduce_max3A_23 = arith.constant dense<0xFF800000> : vector<512xf32>
    %reduce_max3A_24 = vector.multi_reduction <maximumf>, %div3A_22, %reduce_max3A_23 [1] : vector<512x8xf32> to vector<512xf32>
    %broadcast_in_dim3A_25 = vector.shape_cast %reduce_max3A_24 : vector<512xf32> to vector<512x1xf32>
    %ge3A = vector.broadcast %broadcast_in_dim3A_25 : vector<512x1xf32> to vector<512x8xf32>
    %ge3A_26 = arith.cmpf oge, %div3A_22, %ge3A : vector<512x8xf32>
    %jit3A = arith.constant -1.000000e+00 : f32
    %broadcast_in_dim3A_27 = vector.broadcast %jit3A : f32 to vector<512x8xf32>
    %select_n3A = arith.select %ge3A_26, %broadcast_in_dim3A_27, %div3A_22 : vector<512x8xi1>, vector<512x8xf32>
    %reduce_max3A_28 = arith.constant dense<0xFF800000> : vector<512xf32>
    %reduce_max3A_29 = vector.multi_reduction <maximumf>, %select_n3A, %reduce_max3A_28 [1] : vector<512x8xf32> to vector<512xf32>
    %broadcast_in_dim3A_30 = vector.shape_cast %reduce_max3A_29 : vector<512xf32> to vector<512x1xf32>
    %ge3A_31 = vector.broadcast %broadcast_in_dim3A_30 : vector<512x1xf32> to vector<512x8xf32>
    %ge3A_32 = arith.cmpf oge, %div3A_22, %ge3A_31 : vector<512x8xf32>
    %convert_element_type3A_33 = arith.extui %ge3A_32 : vector<512x8xi1> to vector<512x8xi32>
    %convert_element_type3A_34 = arith.sitofp %convert_element_type3A_33 : vector<512x8xi32> to vector<512x8xf32>
    %reduce_sum3A_35 = arith.constant dense<0.000000e+00> : vector<8xf32>
    %reduce_sum3A_36 = vector.multi_reduction <add>, %convert_element_type3A_34, %reduce_sum3A_35 [0] : vector<512x8xf32> to vector<8xf32>
    %broadcast_in_dim3A_37 = vector.shape_cast %reduce_sum3A_36 : vector<8xf32> to vector<1x8xf32>
    %eq3A = arith.constant 0 : i32
    %eq3A_38 = arith.cmpi eq, %arg0, %eq3A : i32
    %convert_element_type3A_39 = arith.extui %eq3A_38 : i1 to i32
    %cond3A = arith.constant 0 : i32
    %cond3A_40 = arith.cmpi ne, %convert_element_type3A_39, %cond3A : i32
    scf.if %cond3A_40 {
      %eq3A_46 = arith.constant 0 : i32
      %eq3A_47 = arith.cmpi eq, %arg1, %eq3A_46 : i32
      %broadcast_in_dim3A_48 = arith.constant 0.000000e+00 : f32
      %broadcast_in_dim3A_49 = vector.broadcast %broadcast_in_dim3A_48 : f32 to vector<1x8xf32>
      %get3A_50 = arith.constant 0 : index
      %get3A_51 = arith.constant 0 : index
      %get3A_52 = vector.load %arg9[%get3A_50, %get3A_51] : memref<1x8xf32, #tpu.memory_space<vmem>>, vector<1x8xf32>
      %select_n3A_53 = arith.select %eq3A_47, %broadcast_in_dim3A_49, %get3A_52 : vector<1x8xf32>
      %add3A = arith.addf %select_n3A_53, %broadcast_in_dim3A_37 : vector<1x8xf32>
      %swap3A_54 = arith.constant 0 : index
      %swap3A_55 = arith.constant 0 : index
      %swap3A_56 = vector.load %arg9[%swap3A_54, %swap3A_55] : memref<1x8xf32, #tpu.memory_space<vmem>>, vector<1x8xf32>
      tpu.vector_store %arg9[%swap3A_54, %swap3A_55], %add3A {strides = array<i32>} : memref<1x8xf32, #tpu.memory_space<vmem>>, vector<1x8xf32>,
    } else {
    }
    %eq3A_41 = arith.constant 1 : i32
    %eq3A_42 = arith.cmpi eq, %arg0, %eq3A_41 : i32
    %convert_element_type3A_43 = arith.extui %eq3A_42 : i1 to i32
    %cond3A_44 = arith.constant 0 : i32
    %cond3A_45 = arith.cmpi ne, %convert_element_type3A_43, %cond3A_44 : i32
    scf.if %cond3A_45 {
      %get3A_46 = arith.constant 0 : index
      %get3A_47 = arith.constant 0 : index
      %get3A_48 = vector.load %arg9[%get3A_46, %get3A_47] : memref<1x8xf32, #tpu.memory_space<vmem>>, vector<1x8xf32>
      %add3A = arith.constant 2.550000e+02 : f32
      %add3A_49 = vector.broadcast %add3A : f32 to vector<1x8xf32>
      %add3A_50 = arith.addf %get3A_48, %add3A_49 : vector<1x8xf32>
      %mul3A = arith.constant 3.906250e-03 : f32
      %mul3A_51 = vector.broadcast %mul3A : f32 to vector<1x8xf32>
      %mul3A_52 = arith.mulf %add3A_50, %mul3A_51 : vector<1x8xf32>
      %floor3A = math.floor %mul3A_52 : vector<1x8xf32>
      %mul3A_53 = arith.constant 2.560000e+02 : f32
      %mul3A_54 = vector.broadcast %mul3A_53 : f32 to vector<1x8xf32>
      %mul3A_55 = arith.mulf %floor3A, %mul3A_54 : vector<1x8xf32>
      %iota3A = tpu.iota {dimensions = array<i32: 0>} : vector<8x8xi32>
      %iota3A_56 = tpu.iota {dimensions = array<i32: 1>} : vector<8x8xi32>
      %le3A = arith.cmpi sle, %iota3A, %iota3A_56 : vector<8x8xi32>
      %convert_element_type3A_57 = arith.extui %le3A : vector<8x8xi1> to vector<8x8xi32>
      %convert_element_type3A_58 = arith.sitofp %convert_element_type3A_57 : vector<8x8xi32> to vector<8x8xf32>
      %dot_general3A_59 = arith.constant dense<0.000000e+00> : vector<1x8xf32>
      %dot_general3A_60 = tpu.matmul %mul3A_55, %convert_element_type3A_58, %dot_general3A_59 {dimension_numbers = #tpu.dot_dimension_numbers<[1], [0], [0], [1], [0, 0, 1, 1], [], []>, transpose_lhs_hint = false} : vector<1x8xf32>, vector<8x8xf32>, vector<1x8xf32> -> vector<1x8xf32>
      %sub3A_61 = arith.subf %dot_general3A_60, %mul3A_55 : vector<1x8xf32>
      %eq3A_62 = arith.constant 0 : i32
      %eq3A_63 = arith.cmpi eq, %arg1, %eq3A_62 : i32
      %broadcast_in_dim3A_64 = arith.constant 0.000000e+00 : f32
      %broadcast_in_dim3A_65 = vector.broadcast %broadcast_in_dim3A_64 : f32 to vector<1x8xf32>
      %get3A_66 = arith.constant 0 : index
      %get3A_67 = arith.constant 0 : index
      %get3A_68 = vector.load %arg10[%get3A_66, %get3A_67] : memref<1x8xf32, #tpu.memory_space<vmem>>, vector<1x8xf32>
      %select_n3A_69 = arith.select %eq3A_63, %broadcast_in_dim3A_65, %get3A_68 : vector<1x8xf32>
      %add3A_70 = arith.addf %select_n3A_69, %broadcast_in_dim3A_37 : vector<1x8xf32>
      %swap3A_71 = arith.constant 0 : index
      %swap3A_72 = arith.constant 0 : index
      %swap3A_73 = vector.load %arg10[%swap3A_71, %swap3A_72] : memref<1x8xf32, #tpu.memory_space<vmem>>, vector<1x8xf32>
      tpu.vector_store %arg10[%swap3A_71, %swap3A_72], %add3A_70 {strides = array<i32>} : memref<1x8xf32, #tpu.memory_space<vmem>>, vector<1x8xf32>,
      %iota3A_74 = tpu.iota {dimensions = array<i32: 1>} : vector<512x512xi32>
      %iota3A_75 = tpu.iota {dimensions = array<i32: 0>} : vector<512x512xi32>
      %lt3A = arith.cmpi slt, %iota3A_74, %iota3A_75 : vector<512x512xi32>
      %convert_element_type3A_76 = arith.extui %lt3A : vector<512x512xi1> to vector<512x512xi32>
      %convert_element_type3A_77 = arith.sitofp %convert_element_type3A_76 : vector<512x512xi32> to vector<512x512xf32>
      %dot_general3A_78 = arith.constant dense<0.000000e+00> : vector<512x8xf32>
      %dot_general3A_79 = tpu.matmul %convert_element_type3A_77, %convert_element_type3A_34, %dot_general3A_78 {dimension_numbers = #tpu.dot_dimension_numbers<[1], [0], [0], [1], [0, 0, 1, 1], [], []>, transpose_lhs_hint = false} : vector<512x512xf32>, vector<512x8xf32>, vector<512x8xf32> -> vector<512x8xf32>
      %add3A_80 = arith.addf %sub3A_61, %select_n3A_69 : vector<1x8xf32>
      %add3A_81 = vector.broadcast %add3A_80 : vector<1x8xf32> to vector<512x8xf32>
      %add3A_82 = arith.addf %add3A_81, %dot_general3A_79 : vector<512x8xf32>
      %iota3A_83 = tpu.iota {dimensions = array<i32: 1>} : vector<512x8xi32>
      %ge3A_84 = vector.broadcast %broadcast_in_dim3A_25 : vector<512x1xf32> to vector<512x8xf32>
      %ge3A_85 = arith.cmpf oge, %div3A_22, %ge3A_84 : vector<512x8xf32>
      %jit3A_86 = arith.constant 8 : i32
      %broadcast_in_dim3A_87 = vector.broadcast %jit3A_86 : i32 to vector<512x8xi32>
      %select_n3A_88 = arith.select %ge3A_85, %iota3A_83, %broadcast_in_dim3A_87 : vector<512x8xi1>, vector<512x8xi32>
      %reduce_min3A = arith.constant dense<2147483647> : vector<512xi32>
      %reduce_min3A_89 = vector.multi_reduction <minsi>, %select_n3A_88, %reduce_min3A [1] : vector<512x8xi32> to vector<512xi32>
      %broadcast_in_dim3A_90 = vector.shape_cast %reduce_min3A_89 : vector<512xi32> to vector<512x1xi32>
      %ge3A_91 = vector.broadcast %broadcast_in_dim3A_30 : vector<512x1xf32> to vector<512x8xf32>
      %ge3A_92 = arith.cmpf oge, %div3A_22, %ge3A_91 : vector<512x8xf32>
      %ne3A = vector.broadcast %broadcast_in_dim3A_90 : vector<512x1xi32> to vector<512x8xi32>
      %ne3A_93 = arith.cmpi ne, %iota3A_83, %ne3A : vector<512x8xi32>
      %and3A = arith.andi %ge3A_92, %ne3A_93 : vector<512x8xi1>
      %jit3A_94 = arith.constant 8 : i32
      %broadcast_in_dim3A_95 = vector.broadcast %jit3A_94 : i32 to vector<512x8xi32>
      %select_n3A_96 = arith.select %and3A, %iota3A_83, %broadcast_in_dim3A_95 : vector<512x8xi1>, vector<512x8xi32>
      %reduce_min3A_97 = arith.constant dense<2147483647> : vector<512xi32>
      %reduce_min3A_98 = vector.multi_reduction <minsi>, %select_n3A_96, %reduce_min3A_97 [1] : vector<512x8xi32> to vector<512xi32>
      %broadcast_in_dim3A_99 = vector.shape_cast %reduce_min3A_98 : vector<512xi32> to vector<512x1xi32>
      %eq3A_100 = vector.broadcast %broadcast_in_dim3A_90 : vector<512x1xi32> to vector<512x8xi32>
      %eq3A_101 = arith.cmpi eq, %iota3A_83, %eq3A_100 : vector<512x8xi32>
      %eq3A_102 = vector.broadcast %broadcast_in_dim3A_99 : vector<512x1xi32> to vector<512x8xi32>
      %eq3A_103 = arith.cmpi eq, %iota3A_83, %eq3A_102 : vector<512x8xi32>
      %jit3A_104 = arith.constant 0.000000e+00 : f32
      %broadcast_in_dim3A_105 = vector.broadcast %jit3A_104 : f32 to vector<512x8xf32>
      %select_n3A_106 = arith.select %eq3A_101, %add3A_82, %broadcast_in_dim3A_105 : vector<512x8xi1>, vector<512x8xf32>
      %reduce_sum3A_107 = arith.constant dense<0.000000e+00> : vector<512xf32>
      %reduce_sum3A_108 = vector.multi_reduction <add>, %select_n3A_106, %reduce_sum3A_107 [1] : vector<512x8xf32> to vector<512xf32>
      %jit3A_109 = arith.constant 0.000000e+00 : f32
      %broadcast_in_dim3A_110 = vector.broadcast %jit3A_109 : f32 to vector<512x8xf32>
      %select_n3A_111 = arith.select %eq3A_103, %add3A_82, %broadcast_in_dim3A_110 : vector<512x8xi1>, vector<512x8xf32>
      %reduce_sum3A_112 = arith.constant dense<0.000000e+00> : vector<512xf32>
      %reduce_sum3A_113 = vector.multi_reduction <add>, %select_n3A_111, %reduce_sum3A_112 [1] : vector<512x8xf32> to vector<512xf32>
      %get3A_114 = arith.constant 0 : index
      %get3A_115 = arith.constant 0 : index
      %get3A_116 = vector.load %arg4[%get3A_114, %get3A_115] : memref<1x8xf32, #tpu.memory_space<vmem>>, vector<1x8xf32>
      %mul3A_117 = vector.broadcast %get3A_116 : vector<1x8xf32> to vector<512x8xf32>
      %mul3A_118 = arith.mulf %div3A_22, %mul3A_117 : vector<512x8xf32>
      %jit3A_119 = arith.constant 0.000000e+00 : f32
      %broadcast_in_dim3A_120 = vector.broadcast %jit3A_119 : f32 to vector<512x8xf32>
      %select_n3A_121 = arith.select %eq3A_101, %mul3A_118, %broadcast_in_dim3A_120 : vector<512x8xi1>, vector<512x8xf32>
      %reduce_sum3A_122 = arith.constant dense<0.000000e+00> : vector<512xf32>
      %reduce_sum3A_123 = vector.multi_reduction <add>, %select_n3A_121, %reduce_sum3A_122 [1] : vector<512x8xf32> to vector<512xf32>
      %jit3A_124 = arith.constant 0.000000e+00 : f32
      %broadcast_in_dim3A_125 = vector.broadcast %jit3A_124 : f32 to vector<512x8xf32>
      %select_n3A_126 = arith.select %eq3A_103, %mul3A_118, %broadcast_in_dim3A_125 : vector<512x8xi1>, vector<512x8xf32>
      %reduce_sum3A_127 = arith.constant dense<0.000000e+00> : vector<512xf32>
      %reduce_sum3A_128 = vector.multi_reduction <add>, %select_n3A_126, %reduce_sum3A_127 [1] : vector<512x8xf32> to vector<512xf32>
      %iota3A_129 = tpu.iota {dimensions = array<i32: 0>} : vector<8x512xi32>
      %eq3A_130 = arith.constant 0 : i32
      %eq3A_131 = vector.broadcast %eq3A_130 : i32 to vector<8x512xi32>
      %eq3A_132 = arith.cmpi eq, %iota3A_129, %eq3A_131 : vector<8x512xi32>
      %broadcast_in_dim3A_133 = vector.shape_cast %reduce_sum3A_108 : vector<512xf32> to vector<1x512xf32>
      %eq3A_134 = arith.constant 1 : i32
      %eq3A_135 = vector.broadcast %eq3A_134 : i32 to vector<8x512xi32>
      %eq3A_136 = arith.cmpi eq, %iota3A_129, %eq3A_135 : vector<8x512xi32>
      %broadcast_in_dim3A_137 = vector.shape_cast %reduce_sum3A_113 : vector<512xf32> to vector<1x512xf32>
      %jit3A_138 = arith.constant 0.000000e+00 : f32
      %broadcast_in_dim3A_139 = vector.shape_cast %broadcast_in_dim3A_137 : vector<1x512xf32> to vector<1x512xf32>
      %broadcast_in_dim3A_140 = vector.broadcast %broadcast_in_dim3A_139 : vector<1x512xf32> to vector<8x512xf32>
      %broadcast_in_dim3A_141 = vector.broadcast %jit3A_138 : f32 to vector<8x512xf32>
      %select_n3A_142 = arith.select %eq3A_136, %broadcast_in_dim3A_140, %broadcast_in_dim3A_141 : vector<8x512xi1>, vector<8x512xf32>
      %broadcast_in_dim3A_143 = vector.shape_cast %broadcast_in_dim3A_133 : vector<1x512xf32> to vector<1x512xf32>
      %broadcast_in_dim3A_144 = vector.broadcast %broadcast_in_dim3A_143 : vector<1x512xf32> to vector<8x512xf32>
      %select_n3A_145 = arith.select %eq3A_132, %broadcast_in_dim3A_144, %select_n3A_142 : vector<8x512xi1>, vector<8x512xf32>
      %convert_element_type3A_146 = arith.fptosi %select_n3A_145 : vector<8x512xf32> to vector<8x512xi32>
      %swap3A_147 = arith.constant 0 : index
      %swap3A_148 = arith.constant 0 : index
      %swap3A_149 = vector.load %arg5[%swap3A_147, %swap3A_148] : memref<8x512xi32, #tpu.memory_space<vmem>>, vector<8x512xi32>
      tpu.vector_store %arg5[%swap3A_147, %swap3A_148], %convert_element_type3A_146 {strides = array<i32>} : memref<8x512xi32, #tpu.memory_space<vmem>>, vector<8x512xi32>,
      %eq3A_150 = arith.constant 0 : i32
      %eq3A_151 = vector.broadcast %eq3A_150 : i32 to vector<8x512xi32>
      %eq3A_152 = arith.cmpi eq, %iota3A_129, %eq3A_151 : vector<8x512xi32>
      %broadcast_in_dim3A_153 = vector.shape_cast %reduce_sum3A_123 : vector<512xf32> to vector<1x512xf32>
      %eq3A_154 = arith.constant 1 : i32
      %eq3A_155 = vector.broadcast %eq3A_154 : i32 to vector<8x512xi32>
      %eq3A_156 = arith.cmpi eq, %iota3A_129, %eq3A_155 : vector<8x512xi32>
      %broadcast_in_dim3A_157 = vector.shape_cast %reduce_sum3A_128 : vector<512xf32> to vector<1x512xf32>
      %jit3A_158 = arith.constant 0.000000e+00 : f32
      %broadcast_in_dim3A_159 = vector.shape_cast %broadcast_in_dim3A_157 : vector<1x512xf32> to vector<1x512xf32>
      %broadcast_in_dim3A_160 = vector.broadcast %broadcast_in_dim3A_159 : vector<1x512xf32> to vector<8x512xf32>
      %broadcast_in_dim3A_161 = vector.broadcast %jit3A_158 : f32 to vector<8x512xf32>
      %select_n3A_162 = arith.select %eq3A_156, %broadcast_in_dim3A_160, %broadcast_in_dim3A_161 : vector<8x512xi1>, vector<8x512xf32>
      %broadcast_in_dim3A_163 = vector.shape_cast %broadcast_in_dim3A_153 : vector<1x512xf32> to vector<1x512xf32>
      %broadcast_in_dim3A_164 = vector.broadcast %broadcast_in_dim3A_163 : vector<1x512xf32> to vector<8x512xf32>
      %select_n3A_165 = arith.select %eq3A_152, %broadcast_in_dim3A_164, %select_n3A_162 : vector<8x512xi1>, vector<8x512xf32>
      %swap3A_166 = arith.constant 0 : index
      %swap3A_167 = arith.constant 0 : index
      %swap3A_168 = vector.load %arg6[%swap3A_166, %swap3A_167] : memref<8x512xf32, #tpu.memory_space<vmem>>, vector<8x512xf32>
      tpu.vector_store %arg6[%swap3A_166, %swap3A_167], %select_n3A_165 {strides = array<i32>} : memref<8x512xf32, #tpu.memory_space<vmem>>, vector<8x512xf32>,
      %iota3A_169 = tpu.iota {dimensions = array<i32: 1>} : vector<1x128xi32>
      %mul3A_170 = arith.constant 256 : i32
      %mul3A_171 = vector.broadcast %mul3A_170 : i32 to vector<1x128xi32>
      %mul3A_172 = arith.muli %iota3A_169, %mul3A_171 : vector<1x128xi32>
      %convert_element_type3A_173 = arith.sitofp %mul3A_172 : vector<1x128xi32> to vector<1x128xf32>
      %broadcast_in_dim3A_174 = arith.constant 0.000000e+00 : f32
      %broadcast_in_dim3A_175 = vector.broadcast %broadcast_in_dim3A_174 : f32 to vector<1x128xf32>
      %slice3A_176 = vector.extract_strided_slice %dot_general3A_60 {offsets = [0, 0], sizes = [1, 1], strides = [1, 1]} : vector<1x8xf32> to vector<1x1xf32>
      %squeeze3A = vector.extract %slice3A_176[0, 0] : f32 from vector<1x1xf32>
      %ge3A_177 = vector.broadcast %squeeze3A : f32 to vector<1x128xf32>
      %ge3A_178 = arith.cmpf oge, %convert_element_type3A_173, %ge3A_177 : vector<1x128xf32>
      %convert_element_type3A_179 = arith.extui %ge3A_178 : vector<1x128xi1> to vector<1x128xi32>
      %convert_element_type3A_180 = arith.sitofp %convert_element_type3A_179 : vector<1x128xi32> to vector<1x128xf32>
      %add3A_181 = arith.addf %broadcast_in_dim3A_175, %convert_element_type3A_180 : vector<1x128xf32>
      %slice3A_182 = vector.extract_strided_slice %dot_general3A_60 {offsets = [0, 1], sizes = [1, 1], strides = [1, 1]} : vector<1x8xf32> to vector<1x1xf32>
      %squeeze3A_183 = vector.extract %slice3A_182[0, 0] : f32 from vector<1x1xf32>
      %ge3A_184 = vector.broadcast %squeeze3A_183 : f32 to vector<1x128xf32>
      %ge3A_185 = arith.cmpf oge, %convert_element_type3A_173, %ge3A_184 : vector<1x128xf32>
      %convert_element_type3A_186 = arith.extui %ge3A_185 : vector<1x128xi1> to vector<1x128xi32>
      %convert_element_type3A_187 = arith.sitofp %convert_element_type3A_186 : vector<1x128xi32> to vector<1x128xf32>
      %add3A_188 = arith.addf %add3A_181, %convert_element_type3A_187 : vector<1x128xf32>
      %slice3A_189 = vector.extract_strided_slice %dot_general3A_60 {offsets = [0, 2], sizes = [1, 1], strides = [1, 1]} : vector<1x8xf32> to vector<1x1xf32>
      %squeeze3A_190 = vector.extract %slice3A_189[0, 0] : f32 from vector<1x1xf32>
      %ge3A_191 = vector.broadcast %squeeze3A_190 : f32 to vector<1x128xf32>
      %ge3A_192 = arith.cmpf oge, %convert_element_type3A_173, %ge3A_191 : vector<1x128xf32>
      %convert_element_type3A_193 = arith.extui %ge3A_192 : vector<1x128xi1> to vector<1x128xi32>
      %convert_element_type3A_194 = arith.sitofp %convert_element_type3A_193 : vector<1x128xi32> to vector<1x128xf32>
      %add3A_195 = arith.addf %add3A_188, %convert_element_type3A_194 : vector<1x128xf32>
      %slice3A_196 = vector.extract_strided_slice %dot_general3A_60 {offsets = [0, 3], sizes = [1, 1], strides = [1, 1]} : vector<1x8xf32> to vector<1x1xf32>
      %squeeze3A_197 = vector.extract %slice3A_196[0, 0] : f32 from vector<1x1xf32>
      %ge3A_198 = vector.broadcast %squeeze3A_197 : f32 to vector<1x128xf32>
      %ge3A_199 = arith.cmpf oge, %convert_element_type3A_173, %ge3A_198 : vector<1x128xf32>
      %convert_element_type3A_200 = arith.extui %ge3A_199 : vector<1x128xi1> to vector<1x128xi32>
      %convert_element_type3A_201 = arith.sitofp %convert_element_type3A_200 : vector<1x128xi32> to vector<1x128xf32>
      %add3A_202 = arith.addf %add3A_195, %convert_element_type3A_201 : vector<1x128xf32>
      %slice3A_203 = vector.extract_strided_slice %dot_general3A_60 {offsets = [0, 4], sizes = [1, 1], strides = [1, 1]} : vector<1x8xf32> to vector<1x1xf32>
      %squeeze3A_204 = vector.extract %slice3A_203[0, 0] : f32 from vector<1x1xf32>
      %ge3A_205 = vector.broadcast %squeeze3A_204 : f32 to vector<1x128xf32>
      %ge3A_206 = arith.cmpf oge, %convert_element_type3A_173, %ge3A_205 : vector<1x128xf32>
      %convert_element_type3A_207 = arith.extui %ge3A_206 : vector<1x128xi1> to vector<1x128xi32>
      %convert_element_type3A_208 = arith.sitofp %convert_element_type3A_207 : vector<1x128xi32> to vector<1x128xf32>
      %add3A_209 = arith.addf %add3A_202, %convert_element_type3A_208 : vector<1x128xf32>
      %slice3A_210 = vector.extract_strided_slice %dot_general3A_60 {offsets = [0, 5], sizes = [1, 1], strides = [1, 1]} : vector<1x8xf32> to vector<1x1xf32>
      %squeeze3A_211 = vector.extract %slice3A_210[0, 0] : f32 from vector<1x1xf32>
      %ge3A_212 = vector.broadcast %squeeze3A_211 : f32 to vector<1x128xf32>
      %ge3A_213 = arith.cmpf oge, %convert_element_type3A_173, %ge3A_212 : vector<1x128xf32>
      %convert_element_type3A_214 = arith.extui %ge3A_213 : vector<1x128xi1> to vector<1x128xi32>
      %convert_element_type3A_215 = arith.sitofp %convert_element_type3A_214 : vector<1x128xi32> to vector<1x128xf32>
      %add3A_216 = arith.addf %add3A_209, %convert_element_type3A_215 : vector<1x128xf32>
      %slice3A_217 = vector.extract_strided_slice %dot_general3A_60 {offsets = [0, 6], sizes = [1, 1], strides = [1, 1]} : vector<1x8xf32> to vector<1x1xf32>
      %squeeze3A_218 = vector.extract %slice3A_217[0, 0] : f32 from vector<1x1xf32>
      %ge3A_219 = vector.broadcast %squeeze3A_218 : f32 to vector<1x128xf32>
      %ge3A_220 = arith.cmpf oge, %convert_element_type3A_173, %ge3A_219 : vector<1x128xf32>
      %convert_element_type3A_221 = arith.extui %ge3A_220 : vector<1x128xi1> to vector<1x128xi32>
      %convert_element_type3A_222 = arith.sitofp %convert_element_type3A_221 : vector<1x128xi32> to vector<1x128xf32>
      %add3A_223 = arith.addf %add3A_216, %convert_element_type3A_222 : vector<1x128xf32>
      %slice3A_224 = vector.extract_strided_slice %dot_general3A_60 {offsets = [0, 7], sizes = [1, 1], strides = [1, 1]} : vector<1x8xf32> to vector<1x1xf32>
      %squeeze3A_225 = vector.extract %slice3A_224[0, 0] : f32 from vector<1x1xf32>
      %ge3A_226 = vector.broadcast %squeeze3A_225 : f32 to vector<1x128xf32>
      %ge3A_227 = arith.cmpf oge, %convert_element_type3A_173, %ge3A_226 : vector<1x128xf32>
      %convert_element_type3A_228 = arith.extui %ge3A_227 : vector<1x128xi1> to vector<1x128xi32>
      %convert_element_type3A_229 = arith.sitofp %convert_element_type3A_228 : vector<1x128xi32> to vector<1x128xf32>
      %add3A_230 = arith.addf %add3A_223, %convert_element_type3A_229 : vector<1x128xf32>
      %min3A = arith.constant 7.000000e+00 : f32
      %min3A_231 = vector.broadcast %min3A : f32 to vector<1x128xf32>
      %min3A_232 = arith.minimumf %add3A_230, %min3A_231 : vector<1x128xf32>
      %convert_element_type3A_233 = arith.fptosi %min3A_232 : vector<1x128xf32> to vector<1x128xi32>
      %swap3A_234 = arith.constant 0 : index
      %swap3A_235 = arith.constant 0 : index
      %swap3A_236 = vector.load %arg7[%swap3A_234, %swap3A_235] : memref<1x128xi32, #tpu.memory_space<vmem>>, vector<1x128xi32>
      tpu.vector_store %arg7[%swap3A_234, %swap3A_235], %convert_element_type3A_233 {strides = array<i32>} : memref<1x128xi32, #tpu.memory_space<vmem>>, vector<1x128xi32>,
    } else {
    }
    return
  }
  func.func @transform_0(%arg0: i32, %arg1: i32) -> (i32, i32) {
    %c0_i32 = arith.constant 0 : i32
    %c0_i32_0 = arith.constant 0 : i32
    return %arg1, %c0_i32 : i32, i32
  }
  func.func @transform_1(%arg0: i32, %arg1: i32) -> (i32, i32) {
    %c0_i32 = arith.constant 0 : i32
    %c0_i32_0 = arith.constant 0 : i32
    %c0_i32_1 = arith.constant 0 : i32
    return %c0_i32, %c0_i32_0 : i32, i32
  }
  func.func @transform_2(%arg0: i32, %arg1: i32) -> (i32, i32) {
    %c0_i32 = arith.constant 0 : i32
    %c0_i32_0 = arith.constant 0 : i32
    %c0_i32_1 = arith.constant 0 : i32
    return %c0_i32, %c0_i32_0 : i32, i32
  }
  func.func @transform_3(%arg0: i32, %arg1: i32) -> (i32, i32) {
    %c0_i32 = arith.constant 0 : i32
    %c0_i32_0 = arith.constant 0 : i32
    return %c0_i32, %arg1 : i32, i32
  }
  func.func @transform_4(%arg0: i32, %arg1: i32) -> (i32, i32) {
    %c0_i32 = arith.constant 0 : i32
    %c0_i32_0 = arith.constant 0 : i32
    return %c0_i32, %arg1 : i32, i32
  }
  func.func @transform_5(%arg0: i32, %arg1: i32) -> (i32, i32) {
    %c0_i32 = arith.constant 0 : i32
    %c0_i32_0 = arith.constant 0 : i32
    %c0_i32_1 = arith.constant 0 : i32
    return %c0_i32, %c0_i32_0 : i32, i32
  }
  func.func @transform_6(%arg0: i32, %arg1: i32) -> (i32, i32) {
    %c0_i32 = arith.constant 0 : i32
    %c0_i32_0 = arith.constant 0 : i32
    return %arg1, %c0_i32 : i32, i32
  }
}

module attributes {stable_mosaic.version = 14 : i64} {
  func.func @_ffn_body(%arg0: i32, %arg1: memref<24xi32, #tpu.memory_space<smem>>, %arg2: memref<256x512xi32, #tpu.memory_space<vmem>>, %arg3: memref<1x512x1024xbf16, #tpu.memory_space<vmem>>, %arg4: memref<1x512x1024xbf16, #tpu.memory_space<vmem>>, %arg5: memref<1x1x1024xf32, #tpu.memory_space<vmem>>, %arg6: memref<1x1024x1024xbf16, #tpu.memory_space<vmem>>, %arg7: memref<1x1x1024xf32, #tpu.memory_space<vmem>>, %arg8: memref<256x512xi32, #tpu.memory_space<vmem>>) attributes {dimension_semantics = [#tpu.dimension_semantics<arbitrary>], iteration_bounds = array<i64: 24>, scalar_prefetch = 1 : i64, scratch_operands = 0 : i64, tpu.core_type = #tpu.core_type<tc>, window_params = [{transform_indices = @transform_0, window_bounds = array<i64: 256, 512>}, {transform_indices = @transform_1, window_bounds = array<i64: 1, 512, 1024>}, {transform_indices = @transform_2, window_bounds = array<i64: 1, 512, 1024>}, {transform_indices = @transform_3, window_bounds = array<i64: 1, 1, 1024>}, {transform_indices = @transform_4, window_bounds = array<i64: 1, 1024, 1024>}, {transform_indices = @transform_5, window_bounds = array<i64: 1, 1, 1024>}, {transform_indices = @transform_6, window_bounds = array<i64: 256, 512>}]} {
    %get3A = arith.constant 0 : index
    %get3A_0 = arith.constant 0 : index
    %get3A_1 = vector.load %arg2[%get3A, %get3A_0] : memref<256x512xi32, #tpu.memory_space<vmem>>, vector<256x512xi32>
    %bitcast_convert_type3A = tpu.bitcast %get3A_1 : vector<256x512xi32> -> vector<256x512xi32>
    %and3A = arith.constant 65535 : i32
    %and3A_2 = vector.broadcast %and3A : i32 to vector<256x512xi32>
    %and3A_3 = arith.andi %bitcast_convert_type3A, %and3A_2 : vector<256x512xi32>
    %convert_element_type3A = arith.trunci %and3A_3 : vector<256x512xi32> to vector<256x512xi16>
    %bitcast_convert_type3A_4 = tpu.bitcast %convert_element_type3A : vector<256x512xi16> -> vector<256x512xbf16>
    %shift_right_logical3A = arith.constant 16 : i32
    %shift_right_logical3A_5 = vector.broadcast %shift_right_logical3A : i32 to vector<256x512xi32>
    %shift_right_logical3A_6 = arith.shrui %bitcast_convert_type3A, %shift_right_logical3A_5 : vector<256x512xi32>
    %convert_element_type3A_7 = arith.trunci %shift_right_logical3A_6 : vector<256x512xi32> to vector<256x512xi16>
    %bitcast_convert_type3A_8 = tpu.bitcast %convert_element_type3A_7 : vector<256x512xi16> -> vector<256x512xbf16>
    %get3A_9 = arith.constant 0 : index
    %get3A_10 = arith.constant 0 : index
    %get3A_11 = arith.constant 0 : index
    %get3A_12 = vector.load %arg3[%get3A_9, %get3A_10, %get3A_11] : memref<1x512x1024xbf16, #tpu.memory_space<vmem>>, vector<1x512x1024xbf16>
    %get3A_13 = vector.shape_cast %get3A_12 : vector<1x512x1024xbf16> to vector<512x1024xbf16>
    %dot_general3A = arith.constant dense<0.000000e+00> : vector<256x1024xf32>
    %dot_general3A_14 = tpu.matmul %bitcast_convert_type3A_4, %get3A_13, %dot_general3A {dimension_numbers = #tpu.dot_dimension_numbers<[1], [0], [0], [1], [0, 0, 1, 1], [], []>, transpose_lhs_hint = false} : vector<256x512xbf16>, vector<512x1024xbf16>, vector<256x1024xf32> -> vector<256x1024xf32>
    %get3A_15 = arith.constant 0 : index
    %get3A_16 = arith.constant 0 : index
    %get3A_17 = arith.constant 0 : index
    %get3A_18 = vector.load %arg4[%get3A_15, %get3A_16, %get3A_17] : memref<1x512x1024xbf16, #tpu.memory_space<vmem>>, vector<1x512x1024xbf16>
    %get3A_19 = vector.shape_cast %get3A_18 : vector<1x512x1024xbf16> to vector<512x1024xbf16>
    %dot_general3A_20 = arith.constant dense<0.000000e+00> : vector<256x1024xf32>
    %dot_general3A_21 = tpu.matmul %bitcast_convert_type3A_8, %get3A_19, %dot_general3A_20 {dimension_numbers = #tpu.dot_dimension_numbers<[1], [0], [0], [1], [0, 0, 1, 1], [], []>, transpose_lhs_hint = false} : vector<256x512xbf16>, vector<512x1024xbf16>, vector<256x1024xf32> -> vector<256x1024xf32>
    %add3A = arith.addf %dot_general3A_14, %dot_general3A_21 : vector<256x1024xf32>
    %get3A_22 = arith.constant 0 : index
    %get3A_23 = arith.constant 0 : index
    %get3A_24 = arith.constant 0 : index
    %get3A_25 = vector.load %arg5[%get3A_22, %get3A_23, %get3A_24] : memref<1x1x1024xf32, #tpu.memory_space<vmem>>, vector<1x1x1024xf32>
    %get3A_26 = vector.shape_cast %get3A_25 : vector<1x1x1024xf32> to vector<1024xf32>
    %broadcast_in_dim3A = vector.shape_cast %get3A_26 : vector<1024xf32> to vector<1x1024xf32>
    %add3A_27 = vector.broadcast %broadcast_in_dim3A : vector<1x1024xf32> to vector<256x1024xf32>
    %add3A_28 = arith.addf %add3A, %add3A_27 : vector<256x1024xf32>
    %mul3A = arith.constant 5.000000e-01 : f32
    %mul3A_29 = vector.broadcast %mul3A : f32 to vector<256x1024xf32>
    %mul3A_30 = arith.mulf %mul3A_29, %add3A_28 : vector<256x1024xf32>
    %mul3A_31 = arith.constant 0.707106769 : f32
    %mul3A_32 = vector.broadcast %mul3A_31 : f32 to vector<256x1024xf32>
    %mul3A_33 = arith.mulf %add3A_28, %mul3A_32 : vector<256x1024xf32>
    %erf3A = math.erf %mul3A_33 : vector<256x1024xf32>
    %add3A_34 = arith.constant 1.000000e+00 : f32
    %add3A_35 = vector.broadcast %add3A_34 : f32 to vector<256x1024xf32>
    %add3A_36 = arith.addf %add3A_35, %erf3A : vector<256x1024xf32>
    %mul3A_37 = arith.mulf %mul3A_30, %add3A_36 : vector<256x1024xf32>
    %convert_element_type3A_38 = arith.truncf %mul3A_37 : vector<256x1024xf32> to vector<256x1024xbf16>
    %get3A_39 = arith.constant 0 : index
    %get3A_40 = arith.constant 0 : index
    %get3A_41 = arith.constant 0 : index
    %get3A_42 = vector.load %arg6[%get3A_39, %get3A_40, %get3A_41] : memref<1x1024x1024xbf16, #tpu.memory_space<vmem>>, vector<1x1024x1024xbf16>
    %get3A_43 = vector.shape_cast %get3A_42 : vector<1x1024x1024xbf16> to vector<1024x1024xbf16>
    %dot_general3A_44 = arith.constant dense<0.000000e+00> : vector<256x1024xf32>
    %dot_general3A_45 = tpu.matmul %convert_element_type3A_38, %get3A_43, %dot_general3A_44 {dimension_numbers = #tpu.dot_dimension_numbers<[1], [0], [0], [1], [0, 0, 1, 1], [], []>, transpose_lhs_hint = false} : vector<256x1024xbf16>, vector<1024x1024xbf16>, vector<256x1024xf32> -> vector<256x1024xf32>
    %get3A_46 = arith.constant 0 : index
    %get3A_47 = arith.constant 0 : index
    %get3A_48 = arith.constant 0 : index
    %get3A_49 = vector.load %arg7[%get3A_46, %get3A_47, %get3A_48] : memref<1x1x1024xf32, #tpu.memory_space<vmem>>, vector<1x1x1024xf32>
    %get3A_50 = vector.shape_cast %get3A_49 : vector<1x1x1024xf32> to vector<1024xf32>
    %broadcast_in_dim3A_51 = vector.shape_cast %get3A_50 : vector<1024xf32> to vector<1x1024xf32>
    %add3A_52 = vector.broadcast %broadcast_in_dim3A_51 : vector<1x1024xf32> to vector<256x1024xf32>
    %add3A_53 = arith.addf %dot_general3A_45, %add3A_52 : vector<256x1024xf32>
    %slice3A = vector.extract_strided_slice %add3A_53 {offsets = [0, 0], sizes = [256, 512], strides = [1, 1]} : vector<256x1024xf32> to vector<256x512xf32>
    %convert_element_type3A_54 = arith.truncf %slice3A : vector<256x512xf32> to vector<256x512xbf16>
    %bitcast_convert_type3A_55 = tpu.bitcast %convert_element_type3A_54 : vector<256x512xbf16> -> vector<256x512xi16>
    %convert_element_type3A_56 = arith.extui %bitcast_convert_type3A_55 : vector<256x512xi16> to vector<256x512xi32>
    %slice3A_57 = vector.extract_strided_slice %add3A_53 {offsets = [0, 512], sizes = [256, 512], strides = [1, 1]} : vector<256x1024xf32> to vector<256x512xf32>
    %convert_element_type3A_58 = arith.truncf %slice3A_57 : vector<256x512xf32> to vector<256x512xbf16>
    %bitcast_convert_type3A_59 = tpu.bitcast %convert_element_type3A_58 : vector<256x512xbf16> -> vector<256x512xi16>
    %convert_element_type3A_60 = arith.extui %bitcast_convert_type3A_59 : vector<256x512xi16> to vector<256x512xi32>
    %shift_left3A = arith.constant 16 : i32
    %shift_left3A_61 = vector.broadcast %shift_left3A : i32 to vector<256x512xi32>
    %shift_left3A_62 = arith.shli %convert_element_type3A_60, %shift_left3A_61 : vector<256x512xi32>
    %or3A = arith.ori %convert_element_type3A_56, %shift_left3A_62 : vector<256x512xi32>
    %bitcast_convert_type3A_63 = tpu.bitcast %or3A : vector<256x512xi32> -> vector<256x512xi32>
    %swap3A = arith.constant 0 : index
    %swap3A_64 = arith.constant 0 : index
    %swap3A_65 = vector.load %arg8[%swap3A, %swap3A_64] : memref<256x512xi32, #tpu.memory_space<vmem>>, vector<256x512xi32>
    tpu.vector_store %arg8[%swap3A, %swap3A_64], %bitcast_convert_type3A_63 {strides = array<i32>} : memref<256x512xi32, #tpu.memory_space<vmem>>, vector<256x512xi32>,
    return
  }
  func.func @transform_0(%arg0: i32, %arg1: memref<24xi32, #tpu.memory_space<smem>>) -> (i32, i32) {
    %c0_i32 = arith.constant 0 : i32
    %c0_i32_0 = arith.constant 0 : i32
    return %arg0, %c0_i32 : i32, i32
  }
  func.func @transform_1(%arg0: i32, %arg1: memref<24xi32, #tpu.memory_space<smem>>) -> (i32, i32, i32) {
    %get3A = arith.index_cast %arg0 : i32 to index
    %get3A_0 = memref.load %arg1[%get3A] : memref<24xi32, #tpu.memory_space<smem>>
    %c0_i32 = arith.constant 0 : i32
    %c0_i32_1 = arith.constant 0 : i32
    %c0_i32_2 = arith.constant 0 : i32
    return %get3A_0, %c0_i32, %c0_i32_1 : i32, i32, i32
  }
  func.func @transform_2(%arg0: i32, %arg1: memref<24xi32, #tpu.memory_space<smem>>) -> (i32, i32, i32) {
    %get3A = arith.index_cast %arg0 : i32 to index
    %get3A_0 = memref.load %arg1[%get3A] : memref<24xi32, #tpu.memory_space<smem>>
    %c0_i32 = arith.constant 0 : i32
    %c0_i32_1 = arith.constant 0 : i32
    %c0_i32_2 = arith.constant 0 : i32
    return %get3A_0, %c0_i32, %c0_i32_1 : i32, i32, i32
  }
  func.func @transform_3(%arg0: i32, %arg1: memref<24xi32, #tpu.memory_space<smem>>) -> (i32, i32, i32) {
    %get3A = arith.index_cast %arg0 : i32 to index
    %get3A_0 = memref.load %arg1[%get3A] : memref<24xi32, #tpu.memory_space<smem>>
    %c0_i32 = arith.constant 0 : i32
    %c0_i32_1 = arith.constant 0 : i32
    %c0_i32_2 = arith.constant 0 : i32
    return %get3A_0, %c0_i32, %c0_i32_1 : i32, i32, i32
  }
  func.func @transform_4(%arg0: i32, %arg1: memref<24xi32, #tpu.memory_space<smem>>) -> (i32, i32, i32) {
    %get3A = arith.index_cast %arg0 : i32 to index
    %get3A_0 = memref.load %arg1[%get3A] : memref<24xi32, #tpu.memory_space<smem>>
    %c0_i32 = arith.constant 0 : i32
    %c0_i32_1 = arith.constant 0 : i32
    %c0_i32_2 = arith.constant 0 : i32
    return %get3A_0, %c0_i32, %c0_i32_1 : i32, i32, i32
  }
  func.func @transform_5(%arg0: i32, %arg1: memref<24xi32, #tpu.memory_space<smem>>) -> (i32, i32, i32) {
    %get3A = arith.index_cast %arg0 : i32 to index
    %get3A_0 = memref.load %arg1[%get3A] : memref<24xi32, #tpu.memory_space<smem>>
    %c0_i32 = arith.constant 0 : i32
    %c0_i32_1 = arith.constant 0 : i32
    %c0_i32_2 = arith.constant 0 : i32
    return %get3A_0, %c0_i32, %c0_i32_1 : i32, i32, i32
  }
  func.func @transform_6(%arg0: i32, %arg1: memref<24xi32, #tpu.memory_space<smem>>) -> (i32, i32) {
    %c0_i32 = arith.constant 0 : i32
    %c0_i32_0 = arith.constant 0 : i32
    return %arg0, %c0_i32 : i32, i32
  }
}

module attributes {stable_mosaic.version = 14 : i64} {
  func.func @_wadd_body(%arg0: i32, %arg1: memref<2x512x512xi32, #tpu.memory_space<vmem>>, %arg2: memref<8x512xf32, #tpu.memory_space<vmem>>, %arg3: memref<512x1024xf32, #tpu.memory_space<vmem>>) attributes {dimension_semantics = [#tpu.dimension_semantics<arbitrary>], iteration_bounds = array<i64: 4>, scalar_prefetch = 0 : i64, scratch_operands = 0 : i64, tpu.core_type = #tpu.core_type<tc>, window_params = [{transform_indices = @transform_0, window_bounds = array<i64: 2, 512, 512>}, {transform_indices = @transform_1, window_bounds = array<i64: 8, 512>}, {transform_indices = @transform_2, window_bounds = array<i64: 512, 1024>}]} {
    %get3A = arith.constant 0 : index
    %get3A_0 = arith.constant 0 : index
    %get3A_1 = vector.load %arg2[%get3A, %get3A_0] : memref<8x512xf32, #tpu.memory_space<vmem>>, vector<1x512xf32>
    %get3A_2 = vector.shape_cast %get3A_1 : vector<1x512xf32> to vector<512xf32>
    %broadcast_in_dim3A = vector.shape_cast %get3A_2 : vector<512xf32> to vector<512x1xf32>
    %get3A_3 = arith.constant 1 : index
    %get3A_4 = arith.constant 0 : index
    %get3A_5 = vector.load %arg2[%get3A_3, %get3A_4] : memref<8x512xf32, #tpu.memory_space<vmem>>, vector<1x512xf32>
    %get3A_6 = vector.shape_cast %get3A_5 : vector<1x512xf32> to vector<512xf32>
    %broadcast_in_dim3A_7 = vector.shape_cast %get3A_6 : vector<512xf32> to vector<512x1xf32>
    %get3A_8 = arith.constant 0 : index
    %get3A_9 = arith.constant 0 : index
    %get3A_10 = arith.constant 0 : index
    %get3A_11 = vector.load %arg1[%get3A_8, %get3A_9, %get3A_10] : memref<2x512x512xi32, #tpu.memory_space<vmem>>, vector<1x512x512xi32>
    %get3A_12 = vector.shape_cast %get3A_11 : vector<1x512x512xi32> to vector<512x512xi32>
    %bitcast_convert_type3A = tpu.bitcast %get3A_12 : vector<512x512xi32> -> vector<512x512xi32>
    %and3A = arith.constant 65535 : i32
    %and3A_13 = vector.broadcast %and3A : i32 to vector<512x512xi32>
    %and3A_14 = arith.andi %bitcast_convert_type3A, %and3A_13 : vector<512x512xi32>
    %convert_element_type3A = arith.trunci %and3A_14 : vector<512x512xi32> to vector<512x512xi16>
    %bitcast_convert_type3A_15 = tpu.bitcast %convert_element_type3A : vector<512x512xi16> -> vector<512x512xbf16>
    %convert_element_type3A_16 = arith.extf %bitcast_convert_type3A_15 : vector<512x512xbf16> to vector<512x512xf32>
    %shift_right_logical3A = arith.constant 16 : i32
    %shift_right_logical3A_17 = vector.broadcast %shift_right_logical3A : i32 to vector<512x512xi32>
    %shift_right_logical3A_18 = arith.shrui %bitcast_convert_type3A, %shift_right_logical3A_17 : vector<512x512xi32>
    %convert_element_type3A_19 = arith.trunci %shift_right_logical3A_18 : vector<512x512xi32> to vector<512x512xi16>
    %bitcast_convert_type3A_20 = tpu.bitcast %convert_element_type3A_19 : vector<512x512xi16> -> vector<512x512xbf16>
    %convert_element_type3A_21 = arith.extf %bitcast_convert_type3A_20 : vector<512x512xbf16> to vector<512x512xf32>
    %get3A_22 = arith.constant 1 : index
    %get3A_23 = arith.constant 0 : index
    %get3A_24 = arith.constant 0 : index
    %get3A_25 = vector.load %arg1[%get3A_22, %get3A_23, %get3A_24] : memref<2x512x512xi32, #tpu.memory_space<vmem>>, vector<1x512x512xi32>
    %get3A_26 = vector.shape_cast %get3A_25 : vector<1x512x512xi32> to vector<512x512xi32>
    %bitcast_convert_type3A_27 = tpu.bitcast %get3A_26 : vector<512x512xi32> -> vector<512x512xi32>
    %and3A_28 = arith.constant 65535 : i32
    %and3A_29 = vector.broadcast %and3A_28 : i32 to vector<512x512xi32>
    %and3A_30 = arith.andi %bitcast_convert_type3A_27, %and3A_29 : vector<512x512xi32>
    %convert_element_type3A_31 = arith.trunci %and3A_30 : vector<512x512xi32> to vector<512x512xi16>
    %bitcast_convert_type3A_32 = tpu.bitcast %convert_element_type3A_31 : vector<512x512xi16> -> vector<512x512xbf16>
    %convert_element_type3A_33 = arith.extf %bitcast_convert_type3A_32 : vector<512x512xbf16> to vector<512x512xf32>
    %shift_right_logical3A_34 = arith.constant 16 : i32
    %shift_right_logical3A_35 = vector.broadcast %shift_right_logical3A_34 : i32 to vector<512x512xi32>
    %shift_right_logical3A_36 = arith.shrui %bitcast_convert_type3A_27, %shift_right_logical3A_35 : vector<512x512xi32>
    %convert_element_type3A_37 = arith.trunci %shift_right_logical3A_36 : vector<512x512xi32> to vector<512x512xi16>
    %bitcast_convert_type3A_38 = tpu.bitcast %convert_element_type3A_37 : vector<512x512xi16> -> vector<512x512xbf16>
    %convert_element_type3A_39 = arith.extf %bitcast_convert_type3A_38 : vector<512x512xbf16> to vector<512x512xf32>
    %mul3A = vector.broadcast %broadcast_in_dim3A : vector<512x1xf32> to vector<512x512xf32>
    %mul3A_40 = arith.mulf %convert_element_type3A_16, %mul3A : vector<512x512xf32>
    %mul3A_41 = vector.broadcast %broadcast_in_dim3A_7 : vector<512x1xf32> to vector<512x512xf32>
    %mul3A_42 = arith.mulf %convert_element_type3A_33, %mul3A_41 : vector<512x512xf32>
    %add3A = arith.addf %mul3A_40, %mul3A_42 : vector<512x512xf32>
    %swap3A = arith.constant 0 : index
    %swap3A_43 = arith.constant 0 : index
    %swap3A_44 = vector.load %arg3[%swap3A, %swap3A_43] : memref<512x1024xf32, #tpu.memory_space<vmem>>, vector<512x512xf32>
    tpu.vector_store %arg3[%swap3A, %swap3A_43], %add3A {strides = array<i32>} : memref<512x1024xf32, #tpu.memory_space<vmem>>, vector<512x512xf32>,
    %mul3A_45 = vector.broadcast %broadcast_in_dim3A : vector<512x1xf32> to vector<512x512xf32>
    %mul3A_46 = arith.mulf %convert_element_type3A_21, %mul3A_45 : vector<512x512xf32>
    %mul3A_47 = vector.broadcast %broadcast_in_dim3A_7 : vector<512x1xf32> to vector<512x512xf32>
    %mul3A_48 = arith.mulf %convert_element_type3A_39, %mul3A_47 : vector<512x512xf32>
    %add3A_49 = arith.addf %mul3A_46, %mul3A_48 : vector<512x512xf32>
    %swap3A_50 = arith.constant 0 : index
    %swap3A_51 = arith.constant 512 : index
    %swap3A_52 = vector.load %arg3[%swap3A_50, %swap3A_51] : memref<512x1024xf32, #tpu.memory_space<vmem>>, vector<512x512xf32>
    tpu.vector_store %arg3[%swap3A_50, %swap3A_51], %add3A_49 {strides = array<i32>} : memref<512x1024xf32, #tpu.memory_space<vmem>>, vector<512x512xf32>,
    return
  }
  func.func @transform_0(%arg0: i32) -> (i32, i32, i32) {
    %c0_i32 = arith.constant 0 : i32
    %c0_i32_0 = arith.constant 0 : i32
    %c0_i32_1 = arith.constant 0 : i32
    return %c0_i32, %arg0, %c0_i32_0 : i32, i32, i32
  }
  func.func @transform_1(%arg0: i32) -> (i32, i32) {
    %c0_i32 = arith.constant 0 : i32
    %c0_i32_0 = arith.constant 0 : i32
    return %c0_i32, %arg0 : i32, i32
  }
  func.func @transform_2(%arg0: i32) -> (i32, i32) {
    %c0_i32 = arith.constant 0 : i32
    %c0_i32_0 = arith.constant 0 : i32
    return %arg0, %c0_i32 : i32, i32
  }
}

</mosaic_0001>

<sc_bundles>
// kernel: _moe.10.cloned.1.call-start
scs
__scs_entry_jumppad:
0x0: {  	(pc) =	sbr.rel $0x88, $3  }
0x1: {  	(tag) =	ssettag $0x0;
	lr =	simm.s32 $0x1  }
0x2: {  	[smem:$0x3F99] =	sst lr;
	_ =	strace $0xD0000000  }
0x3: {  	_ = 	snop  }
0x4: {  	_ = 	snop  }
0x5: {  	_ = 	snop  }
0x6: {  	_ = 	snop  }
0x7: {  	_ = 	snop  }
__scs_overlays_trampoline_lowered:
0x8: {  	[smem:$0x3FA8] =	sst s0  }
0x9: {  	[smem:$0x3FA9] =	sst s1  }
0xa: {  	[smem:$0x3FAA] =	sst s2  }
0xb: {  	[smem:$0x3FAB] =	sst s3  }
0xc: {  	[smem:$0x3FAC] =	sst s4  }
0xd: {  	[smem:$0x3FAD] =	sst s5  }
0xe: {  	[smem:$0x3FAE] =	sst s6  }
0xf: {  	[smem:$0x3FAF] =	sst s7  }
0x10: {  	[smem:$0x3FB0] =	sst s8  }
0x11: {  	[smem:$0x3FB1] =	sst s9;
	s0 =	simm.s32 @!p0 $0x0  }
0x12: {  	s1 =	sld [smem:$0x3F97];
	s0 =	simm.s32 @p0 $0x1  }
0x13: {  	[smem:$0x3FB2] =	sst s0;
	s0 =	simm.s32 @!p1 $0x0  }
0x14: {  	s2 =	sld [smem:$0x3F96];
	s0 =	simm.s32 @p1 $0x1  }
0x15: {  	[smem:$0x3FB3] =	sst s0;
	s0 =	simm.s32 @!p2 $0x0  }
0x16: {  	s3 =	sld [smem:$0x3FDB];
	s0 =	simm.s32 @p2 $0x1  }
0x17: {  	s4 =	simm.s32 $0x1BF5;
	[smem:$0x3FB5] =	sst s0  }
0x18: {  	s0 =	sld [smem:$0x3F98];
	_ =	swait.ge [sflag:s4], $0x0  }
0x19: {  	s7 =	sld [smem:$0x3F99]  }
0x1a: {  	s8 =	sadd.s32 $0xFFFFE003, lr  }
0x1b: {  	s9 =	sadd.s32 $0xFFFFFEF7, lr;
	s5 =	simm.s32 $0xFFFFFFFF;
	p2 =	slt.u32 s8, $0xFFFFF086  }
0x1c: {  	p1 =	slt.u32 s9, $0xF7A;
	s5 =	simm.s32 @!p2 $0x0  }
0x1d: {  	s5 =	simm.s32 @p1 $0x1;
	p0 =	seq.s32 s7, s2  }
0x1e: {  	s7 =	smul.u32 @!p0 $0xF7A, s2;
	p2 =	seq.s32 @!p0 s5, $0x0  }
0x1f: {  	s9 =	smul.u32 $0xF7A, s1;
	s8 =	simm.s32 @!p0 $0x1BF5;
	p2 =	por !p2, p0  }
0x20: {  	[sflag:s8] =	ssyncset.s32 @!p0 $0xFFFFF086;
	s6 =	sadd.s32 @!p0 s3, s7;
	s7 =	simm.s32 @!p0 $0x108  }
0x21: {  	s3 =	sadd.s32 s3, s9;
	s6 =	sadd.s32 @!p0 $0x88, s6;
	s7 =	simm.s32 @p2 $0x1082  }
0x22: {  	[simem:s7], [sflag:s8] =	dma.local @!p0 [hbm:s6], $0xF7A  }
0x23: {  	s9 =	sor.u32 $0xD0000000, s2;
	s6 =	simm.s32 $0x108;
	_ =	swait.ge @!p0 [sflag:s8], $0x0  }
0x24: {  	s3 =	sadd.s32 $0x88, s3;
	s6 =	simm.s32 @!p1 $0x1082;
	[sflag:s4] =	ssyncset.s32 $0xFFFFF086  }
0x25: {  	[simem:s6], [sflag:s4] =	dma.local [hbm:s3], $0xF7A  }
0x26: {  	[smem:$0x3F99] =	sst s1;
	(tag) =	ssettag s2;
	_ =	strace s9  }
0x27: {  	s1 =	sld [smem:$0x3FA9]  }
0x28: {  	s2 =	sld [smem:$0x3FAA]  }
0x29: {  	s4 =	sld [smem:$0x3FAC]  }
0x2a: {  	p0 =	seq.s32 s5, $0x0;
	s5 =	sld [smem:$0x3FAD]  }
0x2b: {  	s6 =	sld [smem:$0x3FAE]  }
0x2c: {  	s7 =	sld [smem:$0x3FAF]  }
0x2d: {  	s3 =	simm.s32 $0x108;
	s8 =	sld [smem:$0x3FB0]  }
0x2e: {  	s3 =	simm.s32 @!p0 $0x1082;
	s9 =	sld [smem:$0x3FB1]  }
0x2f: {  	lr =	sadd.s32 s0, s3;
	s0 =	sld [smem:$0x3FA8]  }
0x30: {  	s3 =	sld [smem:$0x3FAB]  }
0x31: {  	[smem:$0x3FB4] =	sst s10  }
0x32: {  	s10 =	sld [smem:$0x3FB2];
	_ =	sdelay $0x3  }
0x33: {  	p0 =	seq.s32 s10, $0x1;
	s10 =	sld [smem:$0x3FB4];
	_ =	sdelay $0x3  }
0x34: {  	[smem:$0x3FB4] =	sst s10  }
0x35: {  	s10 =	sld [smem:$0x3FB3];
	_ =	sdelay $0x3  }
0x36: {  	p1 =	seq.s32 s10, $0x1;
	s10 =	sld [smem:$0x3FB4];
	_ =	sdelay $0x3  }
0x37: {  	[smem:$0x3FB4] =	sst s10  }
0x38: {  	s10 =	sld [smem:$0x3FB5]  }
0x39: {  	_ = 	snop;
	(pc) =	sbr.ind lr, $3  }
0x3a: {  	_ = 	snop  }
0x3b: {  	_ = 	snop  }
0x3c: {  	p2 =	seq.s32 s10, $0x1;
	s10 =	sld [smem:$0x3FB4]  }
0x3d: {  	_ =	shalt  }
0x3e: {  	_ =	shalt  }
0x3f: {  	_ =	shalt  }
0x40: {  	_ =	shalt  }
0x41: {  	_ =	shalt  }
0x42: {  	_ =	shalt  }
0x43: {  	_ =	shalt  }
0x44: {  	_ =	shalt  }
0x45: {  	_ =	shalt  }
0x46: {  	_ =	shalt  }
0x47: {  	_ =	shalt  }
0x48: {  	_ =	shalt  }
0x49: {  	_ =	shalt  }
0x4a: {  	_ =	shalt  }
0x4b: {  	_ =	shalt  }
0x4c: {  	_ =	shalt  }
0x4d: {  	_ =	shalt  }
0x4e: {  	_ =	shalt  }
0x4f: {  	_ =	shalt  }
0x50: {  	_ =	shalt  }
0x51: {  	_ =	shalt  }
0x52: {  	_ =	shalt  }
0x53: {  	_ =	shalt  }
0x54: {  	_ =	shalt  }
0x55: {  	_ =	shalt  }
0x56: {  	_ =	shalt  }
0x57: {  	_ =	shalt  }
0x58: {  	_ =	shalt  }
0x59: {  	_ =	shalt  }
0x5a: {  	_ =	shalt  }
0x5b: {  	_ =	shalt  }
0x5c: {  	_ =	shalt  }
0x5d: {  	_ =	shalt  }
0x5e: {  	_ =	shalt  }
0x5f: {  	_ =	shalt  }
0x60: {  	_ =	shalt  }
0x61: {  	_ =	shalt  }
0x62: {  	_ =	shalt  }
0x63: {  	_ =	shalt  }
0x64: {  	_ =	shalt  }
0x65: {  	_ =	shalt  }
0x66: {  	_ =	shalt  }
0x67: {  	_ =	shalt  }
0x68: {  	_ =	shalt  }
0x69: {  	_ =	shalt  }
0x6a: {  	_ =	shalt  }
0x6b: {  	_ =	shalt  }
0x6c: {  	_ =	shalt  }
0x6d: {  	_ =	shalt  }
0x6e: {  	_ =	shalt  }
0x6f: {  	_ =	shalt  }
0x70: {  	_ =	shalt  }
0x71: {  	_ =	shalt  }
0x72: {  	_ =	shalt  }
0x73: {  	_ =	shalt  }
0x74: {  	_ =	shalt  }
0x75: {  	_ =	shalt  }
0x76: {  	_ =	shalt  }
0x77: {  	_ =	shalt  }
0x78: {  	_ =	shalt  }
0x79: {  	_ =	shalt  }
0x7a: {  	_ =	shalt  }
0x7b: {  	_ =	shalt  }
0x7c: {  	_ =	shalt  }
0x7d: {  	_ =	shalt  }
0x7e: {  	_ =	shalt  }
0x7f: {  	_ =	shalt  }
0x80: {  	_ =	shalt  }
0x81: {  	_ =	shalt  }
0x82: {  	_ =	shalt  }
0x83: {  	_ =	shalt  }
0x84: {  	_ =	shalt  }
0x85: {  	_ =	shalt  }
0x86: {  	_ =	shalt  }
0x87: {  	_ =	shalt  }
.Lfunc_end0:
.L_simem_size_0:
called_computation.1_lowered:
.L_overlay_start_0:
0x88: {  	s2 =	sld [smem:$0x3FD9]  }
0x89: {  	s3 =	sld [smem:$0x3FFE];
	_ =	sdelay $0x1  }
0x8a: {  	s1 =	srdreg.scid  }
0x8b: {  	s0 =	sand.u32 $0x1, s1  }
0x8c: {  	s17 =	sshll.u32 s0, $0xA;
	s2 =	sadd.s32 s3, s2  }
0x8d: {  	s2 =	sadd.s32 s2, s17  }
0x8e: {  	[smem:$0x3FC0] =	sst s2  }
0x8f: {  	_ = 	snop  }
0x90: {  	s2 =	sld [smem:$0x3FD0];
	(tm) =	ssettm $0x1  }
0x91: {  	s18 =	sld [smem:$0x3FFB];
	_ =	sdelay $0x3  }
0x92: {  	_ =	strace s18  }
0x93: {  	s3 =	sld [smem:$0x3FFC];
	_ =	sdelay $0x3  }
0x94: {  	_ =	strace s3  }
0x95: {  	s3 =	sld [smem:$0x3FFD];
	_ =	sdelay $0x3  }
0x96: {  	_ =	strace s3  }
0x97: {  	_ =	strace $0x8FFFFFFF  }
0x98: {  	s19 =	sld [smem:$0x3FDB];
	_ =	sdelay $0x1  }
0x99: {  	s4 =	simm.s32 $_scs_section_size  }
0x9a: {  	s5 =	simm.s32 $_size__tile_overlayer_lowered;
	s6 =	simm.s32 $_tile_overlayer_lowered  }
0x9b: {  	s22 =	simm.s32 $0x1BFF;
	s21 =	sshll.u32 s6, $0x1;
	s3 =	sadd.s32 s4, s19  }
0x9c: {  	s7 =	simm.s32 $0x0;
	s20 =	sshll.u32 s5, $0x1;
	s5 =	sadd.s32 s21, s3  }
0x9d: {  	[timem:s7], [sflag:s22] =	dma.local [hbm:s5], s20  }
0x9e: {  	_ =	swait.ge [sflag:s22], s20  }
0x9f: {  	s4 =	ssub.s32 $0x0, s20;
	[sflag:s22] =	ssyncset.done $0x0  }
0xa0: {  	[sflag:s22] =	ssyncadd.s32 s4;
	_ =	sdelay $0x1  }
0xa1: {  	s23 =	simm.s32 $0x1B8B  }
0xa2: {  	_ =	swait.ge [sflag:s23], $0x1  }
0xa3: {  	[sflag:s23] =	ssyncset.done $0x0  }
0xa4: {  	s25 =	simm.s32 $0x1B8E;
	s24 =	sld [smem:$0x3FFE];
	[sflag:s23] =	ssyncadd.s32 $0xFFFFFFFF  }
0xa5: {  	s26 =	simm.s32 $execute0_lowered;
	[smem:$0x3FD2] =	sst s25  }
0xa6: {  	s5 =	sshll.u32 s26, $0x1;
	_ =	strace $0x80000049;
	[dreg:$0x1] =	wrdreg $0xFFFFFFFF  }
0xa7: {  	s28 =	simm.s32 $_size_execute0_lowered;
	s3 =	sadd.s32 s3, s5;
	[dreg:$0x0] =	wrdreg $0x0  }
0xa8: {  	s5 =	sshll.u32 s28, $0x1;
	[dreg:$0x2] =	wrdreg s3  }
0xa9: {  	[dreg:$0x3] =	wrdreg s5  }
0xaa: {  	[dreg:$0x4] =	wrdreg $0xC0  }
0xab: {  	_ =	task [dreg:s7], $0x5FFFF  }
0xac: {  	[dreg:$0x1] =	wrdreg $0xFFFFFFFF  }
0xad: {  	[dreg:$0x0] =	wrdreg $0x60  }
0xae: {  	[dreg:$0x2] =	wrdreg s24  }
0xaf: {  	[dreg:$0x3] =	wrdreg s2  }
0xb0: {  	[dreg:$0x4] =	wrdreg $0x9  }
0xb1: {  	_ =	task.clear_ibuf [dreg:s7], $0x5FFFF;
	_ =	strace $0x90000049  }
0xb2: {  	s29 =	simm.s32 $0x9;
	_ =	strace $0x8000004B  }
0xb3: {  	_ =	swait.ge [sflag:s29], $0x1  }
0xb4: {  	[sflag:s29] =	ssyncadd.s32 $0xFFFFFFFF  }
0xb5: {  	_ =	strace $0x9000004B  }
0xb6: {  	_ =	sfence  }
0xb7: {  	s30 =	sld [smem:$0x0];
	_ =	sdelay $0x2  }
0xb8: {  	s31 =	sshll.u32 s1, $0xD;
	s1 =	sshrl.u32 s1, $0x2  }
0xb9: {  	s3 =	sand.u32 $0x4000, s31;
	s1 =	sadd.s32 s1, s30  }
0xba: {  	s0 =	sor.u32 s3, s0;
	s1 =	sshll.u32 s1, $0x11  }
0xbb: {  	s0 =	sor.u32 s1, s0  }
0xbc: {  	s0 =	sadd.s32 $0x8F2B, s0  }
0xbd: {  	[sflag:s0] =	ssyncadd.remote.s32 $0x1  }
0xbe: {  	_ =	sfence.sel $0xFFFF  }
0xbf: {  	[dreg:$0x0] =	wrdreg $0xFFFFFFFF;
	(pc) =	sbr.abs _section_cstart, $3  }
0xc0: {  	[dreg:$0x1] =	wrdreg $0xFFFFFFFF  }
0xc1: {  	_ =	task.clear_ibuf [dreg:s7], $0x2FFFF;
	_ =	strace $0x9FFFFFFF  }
0xc2: {  	(tm) =	ssettm $0x7FFFFFFF  }
0xc3: {  	_ =	shalt  }
tec
execute0_lowered:
.L_overlay_start_1:
0x0: {  	(tag) =	ssettag $0x1  }
0x1: {  	s1 =	srdreg.scid  }
0x2: {  	s5 =	rddreg [dreg:$0x0];
	s0 =	stileid.u32  }
0x3: {  	s4 =	rddreg [dreg:$0x1];
	s21 =	simm.s32 $0xC000;
	s22 =	simm.s32 $0xC080  }
0x4: {  	s24 =	simm.s32 $0xC100;
	s25 =	simm.s32 $0xC180;
	s11 =	simm.s32 $0x2000  }
0x5: {  	s12 =	simm.s32 $0x2800;
	s13 =	simm.s32 $0x3000;
	s14 =	simm.s32 $0x3800  }
0x6: {  	s26 =	simm.s32 $0x4800;
	s28 =	simm.s32 $0xA800;
	s29 =	simm.s32 $0xB000  }
0x7: {  	s30 =	simm.s32 $0xB800;
	s31 =	simm.s32 $0x2;
	s1 =	sand.u32 $0x1, s1  }
0x8: {  	s2 =	sshll.u32 s0, $0x7;
	s7 =	sshll.u32 s0, $0xA;
	s10 =	sadd.s32 $0x2200, s5  }
0x9: {  	s17 =	sadd.s32 $0x2210, s5;
	s3 =	sshll.u32 s1, $0x6;
	s1 =	ssub.s32 $0x2, s1  }
0xa: {  	s6 =	sor.u32 s3, s2;
	s2 =	simm.s32 $0x0;
	s3 =	sor.u32 s3, s7  }
0xb: {  	s23 =	sshrl.u32 s1, $0x1;
	s8 =	sor.u32 $0x20, s6;
	[smem:$0x7FF] =	sst s2  }
0xc: {  	s3 =	sshrl.u32 s3, $0x3;
	_ =	strace $0x8000004A;
	[dreg:$0xa] =	wrdreg s21  }
0xd: {  	s6 =	sshll.u32 s6, $0x6;
	s1 =	ssub.s32 s1, s23;
	[dreg:$0xb] =	wrdreg s22  }
0xe: {  	s23 =	simm.s32 $0x8800;
	s9 =	sand.u32 $0x60, s8;
	[dreg:$0xc] =	wrdreg s24  }
0xf: {  	s15 =	sadd.s32 s10, s3;
	s3 =	sadd.s32 s3, s17;
	[dreg:$0xd] =	wrdreg s25  }
0x10: {  	s19 =	sshll.u32 s8, $0x6;
	s8 =	simm.s32 $0x800;
	[dreg:$0xe] =	wrdreg s26  }
0x11: {  	s21 =	simm.s32 $0x7800;
	s22 =	simm.s32 $0x8000;
	s24 =	simm.s32 $0x9000  }
0x12: {  	s25 =	simm.s32 $0x9800;
	s26 =	simm.s32 $0xA000;
	[dreg:$0x3] =	wrdreg s15  }
0x13: {  	s7 =	sor.u32 s7, s9;
	[dreg:$0x5] =	wrdreg s3;
	s3 =	sadd.s32 s4, s6  }
0x14: {  	s4 =	sadd.s32 s4, s19;
	s9 =	simm.s32 $0x1000;
	s15 =	simm.s32 $0x4000  }
0x15: {  	s19 =	simm.s32 $0x6800;
	s7 =	sshrl.u32 s7, $0x3;
	[dreg:$0x7] =	wrdreg s4  }
0x16: {  	s20 =	sadd.s32 $0x20000, s3;
	s6 =	sadd.s32 $0x20800, s3;
	s4 =	sadd.s32 $0x62A00, s5  }
0x17: {  	s5 =	sadd.s32 $0x62B00, s5;
	s16 =	sadd.s32 s10, s7;
	[dreg:$0x8] =	wrdreg s20  }
0x18: {  	v2 =	vlaneseq.u32;
	s18 =	sadd.s32 s7, s17;
	[dreg:$0x9] =	wrdreg s6;
	s6 =	smax.u32 s1, $0x1  }
0x19: {  	vm0 =	vmmov $0xffff;
	v1 =	vshrl.u32 v2, $0x3;
	s7 =	simm.s32 $0x1;
	s10 =	simm.s32 $0x1800;
	[dreg:$0x4] =	wrdreg s16  }
0x1a: {  	v0 =	vand.u32 $0x7, v2;
	v2 =	vor.u32 $0x8, v2;
	v1 =	vmul.u32 $0x8, v1;
	s20 =	simm.s32 $0x7000;
	s1 =	simm.s32 $0x3;
	[dreg:$0x6] =	wrdreg s18  }
.LBB2_1:
0x1b: {  	s0 =	rddreg [dreg:$0x3]  }
0x1c: {  	s16 =	rddreg [dreg:$0xa]  }
0x1d: {  	s17 =	rddreg [dreg:$0x4]  }
0x1e: {  	s18 =	rddreg [dreg:$0xb]  }
0x1f: {  	[tilespmem:s16], [sflag:$0x1] =	stream.linear.gather [hbm4b:s0+s2], $0x20, $0x38;
	[tilespmem:$0xC200] =	vst v63  }
0x20: {  	s0 =	rddreg [dreg:$0x5]  }
0x21: {  	s16 =	rddreg [dreg:$0xc]  }
0x22: {  	[tilespmem:s18], [sflag:$0x1] =	stream.linear.gather [hbm4b:s17+s2], $0x20, $0x38;
	[tilespmem:$0xC200] =	vst v63  }
0x23: {  	s17 =	rddreg [dreg:$0x6]  }
0x24: {  	[tilespmem:s16], [sflag:$0x1] =	stream.linear.gather [hbm4b:s0+s2], $0x20, $0x38;
	[tilespmem:$0xC200] =	vst v63  }
0x25: {  	s18 =	rddreg [dreg:$0xd]  }
0x26: {  	[tilespmem:s18], [sflag:$0x1] =	stream.linear.gather [hbm4b:s17+s2], $0x20, $0x38;
	[tilespmem:$0xC200] =	vst v63  }
0x27: {  	_ =	swait.ge [sflag:s7], $0x20  }
0x28: {  	[sflag:s7] =	ssyncset.done $0x0  }
0x29: {  	[sflag:s7] =	ssyncadd.s32 $0xFFFFFFE0  }
0x2a: {  	v3 =	vld [tilespmem:$0xC000];
	_ =	sdelay $0x4  }
0x2b: {  	v4 =	vshll.u32 v3, $0x2  }
0x2c: {  	v3 =	vand.u32 $0x7, v3;
	v4 =	vand.u32 $0xFFFFFFE0, v4  }
0x2d: {  	v3 =	vor.u32 v3, v4  }
0x2e: {  	v4 =	vperm.xlane v3, v0;
	_ =	sdelay $0x1  }
0x2f: {  	v4 =	vadd.s32 v1, v4;
	_ =	sdelay $0x1  }
0x30: {  	v3 =	vperm.xlane v3, v2;
	_ =	sdelay $0x1  }
0x31: {  	v3 =	vadd.s32 v1, v3  }
0x32: {  	[tilespmem:s2], [sflag:$0x2] =	stream.indirect_vreg.gather [hbm4b:s4+s2], $0x80, v4, vm0, $0xb8;
	[tilespmem:$0xC200] =	vst v63  }
0x33: {  	_ = 	snop  }
0x34: {  	[tilespmem:s8], [sflag:$0x2] =	stream.indirect_vreg.gather [hbm4b:s5+s2], $0x80, v4, vm0, $0xb8;
	[tilespmem:$0xC200] =	vst v63  }
0x35: {  	_ = 	snop  }
0x36: {  	[tilespmem:s9], [sflag:$0x2] =	stream.indirect_vreg.gather [hbm4b:s4+s2], $0x80, v3, vm0, $0xb8;
	[tilespmem:$0xC200] =	vst v63  }
0x37: {  	_ = 	snop  }
0x38: {  	[tilespmem:s10], [sflag:$0x2] =	stream.indirect_vreg.gather [hbm4b:s5+s2], $0x80, v3, vm0, $0xb8;
	[tilespmem:$0xC200] =	vst v63  }
0x39: {  	v3 =	vld [tilespmem:$0xC010];
	_ =	sdelay $0x4  }
0x3a: {  	v57 =	vshll.u32 v3, $0x2  }
0x3b: {  	v3 =	vand.u32 $0x7, v3;
	v4 =	vand.u32 $0xFFFFFFE0, v57  }
0x3c: {  	v3 =	vor.u32 v3, v4  }
0x3d: {  	v4 =	vperm.xlane v3, v0;
	_ =	sdelay $0x1  }
0x3e: {  	v4 =	vadd.s32 v1, v4;
	_ =	sdelay $0x1  }
0x3f: {  	v3 =	vperm.xlane v3, v2;
	_ =	sdelay $0x1  }
0x40: {  	v3 =	vadd.s32 v1, v3  }
0x41: {  	[tilespmem:s11], [sflag:$0x2] =	stream.indirect_vreg.gather [hbm4b:s4+s2], $0x80, v4, vm0, $0xb8;
	[tilespmem:$0xC200] =	vst v63  }
0x42: {  	_ = 	snop  }
0x43: {  	[tilespmem:s12], [sflag:$0x2] =	stream.indirect_vreg.gather [hbm4b:s5+s2], $0x80, v4, vm0, $0xb8;
	[tilespmem:$0xC200] =	vst v63  }
0x44: {  	_ = 	snop  }
0x45: {  	[tilespmem:s13], [sflag:$0x2] =	stream.indirect_vreg.gather [hbm4b:s4+s2], $0x80, v3, vm0, $0xb8;
	[tilespmem:$0xC200] =	vst v63  }
0x46: {  	_ = 	snop  }
0x47: {  	[tilespmem:s14], [sflag:$0x2] =	stream.indirect_vreg.gather [hbm4b:s5+s2], $0x80, v3, vm0, $0xb8;
	[tilespmem:$0xC200] =	vst v63  }
0x48: {  	_ =	swait.ge [sflag:s7], $0x20  }
0x49: {  	[sflag:s7] =	ssyncset.done $0x0  }
0x4a: {  	[sflag:s7] =	ssyncadd.s32 $0xFFFFFFE0  }
0x4b: {  	v3 =	vld [tilespmem:$0xC080];
	_ =	sdelay $0x4  }
0x4c: {  	v58 =	vshll.u32 v3, $0x2  }
0x4d: {  	v3 =	vand.u32 $0x7, v3;
	v4 =	vand.u32 $0xFFFFFFE0, v58  }
0x4e: {  	v3 =	vor.u32 v3, v4  }
0x4f: {  	v4 =	vperm.xlane v3, v0;
	_ =	sdelay $0x1  }
0x50: {  	v4 =	vadd.s32 v1, v4;
	_ =	sdelay $0x1  }
0x51: {  	v3 =	vperm.xlane v3, v2;
	_ =	sdelay $0x1  }
0x52: {  	v3 =	vadd.s32 v1, v3  }
0x53: {  	[tilespmem:s15], [sflag:$0x2] =	stream.indirect_vreg.gather [hbm4b:s4+s2], $0x80, v4, vm0, $0xb8;
	[tilespmem:$0xC200] =	vst v63  }
0x54: {  	s18 =	rddreg [dreg:$0xe]  }
0x55: {  	[tilespmem:s18], [sflag:$0x2] =	stream.indirect_vreg.gather [hbm4b:s5+s2], $0x80, v4, vm0, $0xb8;
	[tilespmem:$0xC200] =	vst v63  }
0x56: {  	s16 =	simm.s32 $0x5000  }
0x57: {  	[tilespmem:s16], [sflag:$0x2] =	stream.indirect_vreg.gather [hbm4b:s4+s2], $0x80, v3, vm0, $0xb8;
	[tilespmem:$0xC200] =	vst v63  }
0x58: {  	s17 =	simm.s32 $0x5800  }
0x59: {  	[tilespmem:s17], [sflag:$0x2] =	stream.indirect_vreg.gather [hbm4b:s5+s2], $0x80, v3, vm0, $0xb8;
	[tilespmem:$0xC200] =	vst v63  }
0x5a: {  	v3 =	vld [tilespmem:$0xC090];
	_ =	sdelay $0x4  }
0x5b: {  	v59 =	vshll.u32 v3, $0x2  }
0x5c: {  	v3 =	vand.u32 $0x7, v3;
	v4 =	vand.u32 $0xFFFFFFE0, v59  }
0x5d: {  	v3 =	vor.u32 v3, v4  }
0x5e: {  	v4 =	vperm.xlane v3, v0;
	_ =	sdelay $0x1  }
0x5f: {  	v4 =	vadd.s32 v1, v4;
	_ =	sdelay $0x1  }
0x60: {  	v3 =	vperm.xlane v3, v2;
	_ =	sdelay $0x1  }
0x61: {  	s18 =	simm.s32 $0x6000;
	v3 =	vadd.s32 v1, v3  }
0x62: {  	[tilespmem:s18], [sflag:$0x2] =	stream.indirect_vreg.gather [hbm4b:s4+s2], $0x80, v4, vm0, $0xb8;
	[tilespmem:$0xC200] =	vst v63  }
0x63: {  	_ = 	snop  }
0x64: {  	[tilespmem:s19], [sflag:$0x2] =	stream.indirect_vreg.gather [hbm4b:s5+s2], $0x80, v4, vm0, $0xb8;
	[tilespmem:$0xC200] =	vst v63  }
0x65: {  	_ = 	snop  }
0x66: {  	[tilespmem:s20], [sflag:$0x2] =	stream.indirect_vreg.gather [hbm4b:s4+s2], $0x80, v3, vm0, $0xb8;
	[tilespmem:$0xC200] =	vst v63  }
0x67: {  	_ = 	snop  }
0x68: {  	[tilespmem:s21], [sflag:$0x2] =	stream.indirect_vreg.gather [hbm4b:s5+s2], $0x80, v3, vm0, $0xb8;
	[tilespmem:$0xC200] =	vst v63  }
0x69: {  	_ =	swait.ge [sflag:s7], $0x20  }
0x6a: {  	[sflag:s7] =	ssyncset.done $0x0  }
0x6b: {  	[sflag:s7] =	ssyncadd.s32 $0xFFFFFFE0  }
0x6c: {  	v3 =	vld [tilespmem:$0xC100];
	_ =	sdelay $0x4  }
0x6d: {  	v60 =	vshll.u32 v3, $0x2  }
0x6e: {  	v3 =	vand.u32 $0x7, v3;
	v4 =	vand.u32 $0xFFFFFFE0, v60  }
0x6f: {  	v3 =	vor.u32 v3, v4  }
0x70: {  	v4 =	vperm.xlane v3, v0;
	_ =	sdelay $0x1  }
0x71: {  	v4 =	vadd.s32 v1, v4;
	_ =	sdelay $0x1  }
0x72: {  	v3 =	vperm.xlane v3, v2;
	_ =	sdelay $0x1  }
0x73: {  	v3 =	vadd.s32 v1, v3  }
0x74: {  	[tilespmem:s22], [sflag:$0x2] =	stream.indirect_vreg.gather [hbm4b:s4+s2], $0x80, v4, vm0, $0xb8;
	[tilespmem:$0xC200] =	vst v63  }
0x75: {  	_ = 	snop  }
0x76: {  	[tilespmem:s23], [sflag:$0x2] =	stream.indirect_vreg.gather [hbm4b:s5+s2], $0x80, v4, vm0, $0xb8;
	[tilespmem:$0xC200] =	vst v63  }
0x77: {  	_ = 	snop  }
0x78: {  	[tilespmem:s24], [sflag:$0x2] =	stream.indirect_vreg.gather [hbm4b:s4+s2], $0x80, v3, vm0, $0xb8;
	[tilespmem:$0xC200] =	vst v63  }
0x79: {  	_ = 	snop  }
0x7a: {  	[tilespmem:s25], [sflag:$0x2] =	stream.indirect_vreg.gather [hbm4b:s5+s2], $0x80, v3, vm0, $0xb8;
	[tilespmem:$0xC200] =	vst v63  }
0x7b: {  	v3 =	vld [tilespmem:$0xC110];
	_ =	sdelay $0x4  }
0x7c: {  	v61 =	vshll.u32 v3, $0x2  }
0x7d: {  	v3 =	vand.u32 $0x7, v3;
	v4 =	vand.u32 $0xFFFFFFE0, v61  }
0x7e: {  	v3 =	vor.u32 v3, v4  }
0x7f: {  	v4 =	vperm.xlane v3, v0;
	_ =	sdelay $0x1  }
0x80: {  	v4 =	vadd.s32 v1, v4;
	_ =	sdelay $0x1  }
0x81: {  	v3 =	vperm.xlane v3, v2;
	_ =	sdelay $0x1  }
0x82: {  	v3 =	vadd.s32 v1, v3  }
0x83: {  	[tilespmem:s26], [sflag:$0x2] =	stream.indirect_vreg.gather [hbm4b:s4+s2], $0x80, v4, vm0, $0xb8;
	[tilespmem:$0xC200] =	vst v63  }
0x84: {  	_ = 	snop  }
0x85: {  	[tilespmem:s28], [sflag:$0x2] =	stream.indirect_vreg.gather [hbm4b:s5+s2], $0x80, v4, vm0, $0xb8;
	[tilespmem:$0xC200] =	vst v63  }
0x86: {  	_ = 	snop  }
0x87: {  	[tilespmem:s29], [sflag:$0x2] =	stream.indirect_vreg.gather [hbm4b:s4+s2], $0x80, v3, vm0, $0xb8;
	[tilespmem:$0xC200] =	vst v63  }
0x88: {  	_ = 	snop  }
0x89: {  	[tilespmem:s30], [sflag:$0x2] =	stream.indirect_vreg.gather [hbm4b:s5+s2], $0x80, v3, vm0, $0xb8;
	[tilespmem:$0xC200] =	vst v63  }
0x8a: {  	_ =	swait.ge [sflag:s31], $0x4000  }
0x8b: {  	[sflag:s31] =	ssyncset.done $0x0  }
0x8c: {  	[sflag:s31] =	ssyncadd.s32 $0xFFFFC000  }
0x8d: {  	[hbm4b:s3+s2] =	stream.linear.scatter [tilespmem:s2], [sflag:$0x3], $0x4000, $0x38;
	[tilespmem:$0xC200] =	vst v63  }
0x8e: {  	_ =	swait.ge [sflag:s31], $0x4000  }
0x8f: {  	[sflag:s31] =	ssyncset.done $0x0  }
0x90: {  	s16 =	rddreg [dreg:$0x7];
	[sflag:s31] =	ssyncadd.s32 $0xFFFFC000  }
0x91: {  	[hbm4b:s16+s2] =	stream.linear.scatter [tilespmem:s15], [sflag:$0x3], $0x4000, $0x38;
	[tilespmem:$0xC200] =	vst v63  }
0x92: {  	_ =	swait.ge [sflag:s1], $0x4000  }
0x93: {  	[sflag:s1] =	ssyncset.done $0x0  }
0x94: {  	[sflag:s1] =	ssyncadd.s32 $0xFFFFC000  }
0x95: {  	_ =	swait.ge [sflag:s7], $0x20  }
0x96: {  	[sflag:s7] =	ssyncset.done $0x0  }
0x97: {  	[sflag:s7] =	ssyncadd.s32 $0xFFFFFFE0  }
0x98: {  	v3 =	vld [tilespmem:$0xC180];
	_ =	sdelay $0x4  }
0x99: {  	v62 =	vshll.u32 v3, $0x2  }
0x9a: {  	v3 =	vand.u32 $0x7, v3;
	v4 =	vand.u32 $0xFFFFFFE0, v62  }
0x9b: {  	v3 =	vor.u32 v3, v4  }
0x9c: {  	v4 =	vperm.xlane v3, v0;
	_ =	sdelay $0x1  }
0x9d: {  	v4 =	vadd.s32 v1, v4;
	_ =	sdelay $0x1  }
0x9e: {  	v3 =	vperm.xlane v3, v2;
	_ =	sdelay $0x1  }
0x9f: {  	v3 =	vadd.s32 v1, v3  }
0xa0: {  	[tilespmem:s2], [sflag:$0x2] =	stream.indirect_vreg.gather [hbm4b:s4+s2], $0x80, v4, vm0, $0xb8;
	[tilespmem:$0xC200] =	vst v63  }
0xa1: {  	_ = 	snop  }
0xa2: {  	[tilespmem:s8], [sflag:$0x2] =	stream.indirect_vreg.gather [hbm4b:s5+s2], $0x80, v4, vm0, $0xb8;
	[tilespmem:$0xC200] =	vst v63  }
0xa3: {  	_ = 	snop  }
0xa4: {  	[tilespmem:s9], [sflag:$0x2] =	stream.indirect_vreg.gather [hbm4b:s4+s2], $0x80, v3, vm0, $0xb8;
	[tilespmem:$0xC200] =	vst v63  }
0xa5: {  	_ = 	snop  }
0xa6: {  	[tilespmem:s10], [sflag:$0x2] =	stream.indirect_vreg.gather [hbm4b:s5+s2], $0x80, v3, vm0, $0xb8;
	[tilespmem:$0xC200] =	vst v63  }
0xa7: {  	v3 =	vld [tilespmem:$0xC190];
	_ =	sdelay $0x4  }
0xa8: {  	v63 =	vshll.u32 v3, $0x2  }
0xa9: {  	v3 =	vand.u32 $0x7, v3;
	v4 =	vand.u32 $0xFFFFFFE0, v63  }
0xaa: {  	v3 =	vor.u32 v3, v4  }
0xab: {  	v4 =	vperm.xlane v3, v0;
	_ =	sdelay $0x1  }
0xac: {  	v4 =	vadd.s32 v1, v4;
	_ =	sdelay $0x1  }
0xad: {  	v3 =	vperm.xlane v3, v2;
	_ =	sdelay $0x1  }
0xae: {  	v3 =	vadd.s32 v1, v3  }
0xaf: {  	[tilespmem:s11], [sflag:$0x2] =	stream.indirect_vreg.gather [hbm4b:s4+s2], $0x80, v4, vm0, $0xb8;
	[tilespmem:$0xC200] =	vst v63  }
0xb0: {  	_ = 	snop  }
0xb1: {  	[tilespmem:s12], [sflag:$0x2] =	stream.indirect_vreg.gather [hbm4b:s5+s2], $0x80, v4, vm0, $0xb8;
	[tilespmem:$0xC200] =	vst v63  }
0xb2: {  	_ = 	snop  }
0xb3: {  	[tilespmem:s13], [sflag:$0x2] =	stream.indirect_vreg.gather [hbm4b:s4+s2], $0x80, v3, vm0, $0xb8;
	[tilespmem:$0xC200] =	vst v63  }
0xb4: {  	_ = 	snop  }
0xb5: {  	[tilespmem:s14], [sflag:$0x2] =	stream.indirect_vreg.gather [hbm4b:s5+s2], $0x80, v3, vm0, $0xb8;
	[tilespmem:$0xC200] =	vst v63  }
0xb6: {  	_ =	swait.ge [sflag:s31], $0x4000  }
0xb7: {  	[sflag:s31] =	ssyncset.done $0x0  }
0xb8: {  	s17 =	rddreg [dreg:$0x8];
	[sflag:s31] =	ssyncadd.s32 $0xFFFFC000  }
0xb9: {  	[hbm4b:s17+s2] =	stream.linear.scatter [tilespmem:s22], [sflag:$0x3], $0x4000, $0x38;
	[tilespmem:$0xC200] =	vst v63  }
0xba: {  	_ =	swait.ge [sflag:s31], $0x4000  }
0xbb: {  	[sflag:s31] =	ssyncset.done $0x0  }
0xbc: {  	s18 =	rddreg [dreg:$0x9];
	[sflag:s31] =	ssyncadd.s32 $0xFFFFC000  }
0xbd: {  	[hbm4b:s18+s2] =	stream.linear.scatter [tilespmem:s2], [sflag:$0x3], $0x4000, $0x38;
	[tilespmem:$0xC200] =	vst v63  }
0xbe: {  	_ =	swait.ge [sflag:s1], $0x4000  }
0xbf: {  	[sflag:s1] =	ssyncset.done $0x0  }
0xc0: {  	[sflag:s1] =	ssyncadd.s32 $0xFFFFC000  }
0xc1: {  	p0 =	sne.s32 s6, $0x1;
	_ =	swait.ge [sflag:s1], $0x4000  }
.Ltmp0:
0xc2: {  	[sflag:s1] =	ssyncset.done $0x0;
	(pc) =	sbr.rel @p0 .LBB2_1-.Ltmp0, $4  }
0xc3: {  	[sflag:s1] =	ssyncadd.s32 $0xFFFFC000  }
0xc4: {  	_ =	swait.ge [sflag:s1], $0x4000  }
0xc5: {  	[sflag:s1] =	ssyncset.done $0x0  }
0xc6: {  	s6 =	sadd.s32 $0xFFFFFFFF, s6;
	[sflag:s1] =	ssyncadd.s32 $0xFFFFC000  }
0xc7: {  	_ =	sfence.sel $0x180000  }
0xc8: {  	[bflag:$0x0] =	sbarrier.arrive $0xFFFF  }
0xc9: {  	_ =	strace $0x9000004A  }
0xca: {  	s0 =	stileid.u32;
	[bflag:$0x2] =	sbarrier.arrive $0xFFFF  }
0xcb: {  	p0 =	sne.s32 s0, $0x0;
	s0 =	rddreg [dreg:$0x2]  }
0xcc: {  	s0 =	sadd.s32 @!p0 $0x100000, s0  }
0xcd: {  	[sflag:s0] =	ssyncadd.tile.s32 @!p0 $0x1;
	_ =	shalt  }
.Lfunc_end2:
_tile_overlayer_lowered:
.L_overlay_start_2:
0xce: {  	(tag) =	ssettag $0x2  }
0xcf: {  	s0 =	rddreg [dreg:$0x0];
	s2 =	stileid.u32  }
0xd0: {  	s1 =	rddreg [dreg:$0x1];
	p0 =	sne.s32 s2, $0x0  }
0xd1: {  	s3 =	rddreg [dreg:$0x2];
	[bflag:$0x3] =	sbarrier.arrive $0xFFFF;
	s2 =	simm.s32 @!p0 $0x1C04  }
0xd2: {  	[timem:s3], [sflag:s2] =	dma.local @!p0 [hbm:s0], s1  }
0xd3: {  	s0 =	simm.s32 @!p0 $0x4  }
0xd4: {  	_ =	swait.ge @!p0 [sflag:s0], s1  }
0xd5: {  	s1 =	ssub.s32 @!p0 $0x0, s1;
	[sflag:s0] =	ssyncset.done @!p0 $0x0  }
0xd6: {  	[sflag:s0] =	ssyncadd.s32 @!p0 s1  }
0xd7: {  	[bflag:$0x3] =	sbarrier.arrive $0xFFFF  }
0xd8: {  	_ =	shalt  }

// kernel: _moe.7.cloned.1.call-start
scs
__scs_entry_jumppad:
0x0: {  	(pc) =	sbr.rel $0x88, $3  }
0x1: {  	(tag) =	ssettag $0x0;
	lr =	simm.s32 $0x1  }
0x2: {  	[smem:$0x3F99] =	sst lr;
	_ =	strace $0xD0000000  }
0x3: {  	_ = 	snop  }
0x4: {  	_ = 	snop  }
0x5: {  	_ = 	snop  }
0x6: {  	_ = 	snop  }
0x7: {  	_ = 	snop  }
__scs_overlays_trampoline_lowered:
0x8: {  	[smem:$0x3FA8] =	sst s0  }
0x9: {  	[smem:$0x3FA9] =	sst s1  }
0xa: {  	[smem:$0x3FAA] =	sst s2  }
0xb: {  	[smem:$0x3FAB] =	sst s3  }
0xc: {  	[smem:$0x3FAC] =	sst s4  }
0xd: {  	[smem:$0x3FAD] =	sst s5  }
0xe: {  	[smem:$0x3FAE] =	sst s6  }
0xf: {  	[smem:$0x3FAF] =	sst s7  }
0x10: {  	[smem:$0x3FB0] =	sst s8  }
0x11: {  	[smem:$0x3FB1] =	sst s9;
	s0 =	simm.s32 @!p0 $0x0  }
0x12: {  	s1 =	sld [smem:$0x3F97];
	s0 =	simm.s32 @p0 $0x1  }
0x13: {  	[smem:$0x3FB2] =	sst s0;
	s0 =	simm.s32 @!p1 $0x0  }
0x14: {  	s2 =	sld [smem:$0x3F96];
	s0 =	simm.s32 @p1 $0x1  }
0x15: {  	[smem:$0x3FB3] =	sst s0;
	s0 =	simm.s32 @!p2 $0x0  }
0x16: {  	s3 =	sld [smem:$0x3FDB];
	s0 =	simm.s32 @p2 $0x1  }
0x17: {  	s4 =	simm.s32 $0x1BF5;
	[smem:$0x3FB5] =	sst s0  }
0x18: {  	s0 =	sld [smem:$0x3F98];
	_ =	swait.ge [sflag:s4], $0x0  }
0x19: {  	s7 =	sld [smem:$0x3F99]  }
0x1a: {  	s8 =	sadd.s32 $0xFFFFE003, lr  }
0x1b: {  	s9 =	sadd.s32 $0xFFFFFEF7, lr;
	s5 =	simm.s32 $0xFFFFFFFF;
	p2 =	slt.u32 s8, $0xFFFFF086  }
0x1c: {  	p1 =	slt.u32 s9, $0xF7A;
	s5 =	simm.s32 @!p2 $0x0  }
0x1d: {  	s5 =	simm.s32 @p1 $0x1;
	p0 =	seq.s32 s7, s2  }
0x1e: {  	s7 =	smul.u32 @!p0 $0xF7A, s2;
	p2 =	seq.s32 @!p0 s5, $0x0  }
0x1f: {  	s9 =	smul.u32 $0xF7A, s1;
	s8 =	simm.s32 @!p0 $0x1BF5;
	p2 =	por !p2, p0  }
0x20: {  	[sflag:s8] =	ssyncset.s32 @!p0 $0xFFFFF086;
	s6 =	sadd.s32 @!p0 s3, s7;
	s7 =	simm.s32 @!p0 $0x108  }
0x21: {  	s3 =	sadd.s32 s3, s9;
	s6 =	sadd.s32 @!p0 $0x88, s6;
	s7 =	simm.s32 @p2 $0x1082  }
0x22: {  	[simem:s7], [sflag:s8] =	dma.local @!p0 [hbm:s6], $0xF7A  }
0x23: {  	s9 =	sor.u32 $0xD0000000, s2;
	s6 =	simm.s32 $0x108;
	_ =	swait.ge @!p0 [sflag:s8], $0x0  }
0x24: {  	s3 =	sadd.s32 $0x88, s3;
	s6 =	simm.s32 @!p1 $0x1082;
	[sflag:s4] =	ssyncset.s32 $0xFFFFF086  }
0x25: {  	[simem:s6], [sflag:s4] =	dma.local [hbm:s3], $0xF7A  }
0x26: {  	[smem:$0x3F99] =	sst s1;
	(tag) =	ssettag s2;
	_ =	strace s9  }
0x27: {  	s1 =	sld [smem:$0x3FA9]  }
0x28: {  	s2 =	sld [smem:$0x3FAA]  }
0x29: {  	s4 =	sld [smem:$0x3FAC]  }
0x2a: {  	p0 =	seq.s32 s5, $0x0;
	s5 =	sld [smem:$0x3FAD]  }
0x2b: {  	s6 =	sld [smem:$0x3FAE]  }
0x2c: {  	s7 =	sld [smem:$0x3FAF]  }
0x2d: {  	s3 =	simm.s32 $0x108;
	s8 =	sld [smem:$0x3FB0]  }
0x2e: {  	s3 =	simm.s32 @!p0 $0x1082;
	s9 =	sld [smem:$0x3FB1]  }
0x2f: {  	lr =	sadd.s32 s0, s3;
	s0 =	sld [smem:$0x3FA8]  }
0x30: {  	s3 =	sld [smem:$0x3FAB]  }
0x31: {  	[smem:$0x3FB4] =	sst s10  }
0x32: {  	s10 =	sld [smem:$0x3FB2];
	_ =	sdelay $0x3  }
0x33: {  	p0 =	seq.s32 s10, $0x1;
	s10 =	sld [smem:$0x3FB4];
	_ =	sdelay $0x3  }
0x34: {  	[smem:$0x3FB4] =	sst s10  }
0x35: {  	s10 =	sld [smem:$0x3FB3];
	_ =	sdelay $0x3  }
0x36: {  	p1 =	seq.s32 s10, $0x1;
	s10 =	sld [smem:$0x3FB4];
	_ =	sdelay $0x3  }
0x37: {  	[smem:$0x3FB4] =	sst s10  }
0x38: {  	s10 =	sld [smem:$0x3FB5]  }
0x39: {  	_ = 	snop;
	(pc) =	sbr.ind lr, $3  }
0x3a: {  	_ = 	snop  }
0x3b: {  	_ = 	snop  }
0x3c: {  	p2 =	seq.s32 s10, $0x1;
	s10 =	sld [smem:$0x3FB4]  }
0x3d: {  	_ =	shalt  }
0x3e: {  	_ =	shalt  }
0x3f: {  	_ =	shalt  }
0x40: {  	_ =	shalt  }
0x41: {  	_ =	shalt  }
0x42: {  	_ =	shalt  }
0x43: {  	_ =	shalt  }
0x44: {  	_ =	shalt  }
0x45: {  	_ =	shalt  }
0x46: {  	_ =	shalt  }
0x47: {  	_ =	shalt  }
0x48: {  	_ =	shalt  }
0x49: {  	_ =	shalt  }
0x4a: {  	_ =	shalt  }
0x4b: {  	_ =	shalt  }
0x4c: {  	_ =	shalt  }
0x4d: {  	_ =	shalt  }
0x4e: {  	_ =	shalt  }
0x4f: {  	_ =	shalt  }
0x50: {  	_ =	shalt  }
0x51: {  	_ =	shalt  }
0x52: {  	_ =	shalt  }
0x53: {  	_ =	shalt  }
0x54: {  	_ =	shalt  }
0x55: {  	_ =	shalt  }
0x56: {  	_ =	shalt  }
0x57: {  	_ =	shalt  }
0x58: {  	_ =	shalt  }
0x59: {  	_ =	shalt  }
0x5a: {  	_ =	shalt  }
0x5b: {  	_ =	shalt  }
0x5c: {  	_ =	shalt  }
0x5d: {  	_ =	shalt  }
0x5e: {  	_ =	shalt  }
0x5f: {  	_ =	shalt  }
0x60: {  	_ =	shalt  }
0x61: {  	_ =	shalt  }
0x62: {  	_ =	shalt  }
0x63: {  	_ =	shalt  }
0x64: {  	_ =	shalt  }
0x65: {  	_ =	shalt  }
0x66: {  	_ =	shalt  }
0x67: {  	_ =	shalt  }
0x68: {  	_ =	shalt  }
0x69: {  	_ =	shalt  }
0x6a: {  	_ =	shalt  }
0x6b: {  	_ =	shalt  }
0x6c: {  	_ =	shalt  }
0x6d: {  	_ =	shalt  }
0x6e: {  	_ =	shalt  }
0x6f: {  	_ =	shalt  }
0x70: {  	_ =	shalt  }
0x71: {  	_ =	shalt  }
0x72: {  	_ =	shalt  }
0x73: {  	_ =	shalt  }
0x74: {  	_ =	shalt  }
0x75: {  	_ =	shalt  }
0x76: {  	_ =	shalt  }
0x77: {  	_ =	shalt  }
0x78: {  	_ =	shalt  }
0x79: {  	_ =	shalt  }
0x7a: {  	_ =	shalt  }
0x7b: {  	_ =	shalt  }
0x7c: {  	_ =	shalt  }
0x7d: {  	_ =	shalt  }
0x7e: {  	_ =	shalt  }
0x7f: {  	_ =	shalt  }
0x80: {  	_ =	shalt  }
0x81: {  	_ =	shalt  }
0x82: {  	_ =	shalt  }
0x83: {  	_ =	shalt  }
0x84: {  	_ =	shalt  }
0x85: {  	_ =	shalt  }
0x86: {  	_ =	shalt  }
0x87: {  	_ =	shalt  }
.Lfunc_end0:
.L_simem_size_0:
called_computation_lowered:
.L_overlay_start_0:
0x88: {  	s2 =	sld [smem:$0x3FD9]  }
0x89: {  	s3 =	sld [smem:$0x3FFE];
	_ =	sdelay $0x1  }
0x8a: {  	s1 =	srdreg.scid  }
0x8b: {  	s0 =	sand.u32 $0x1, s1  }
0x8c: {  	s17 =	sshll.u32 s0, $0xA;
	s2 =	sadd.s32 s3, s2  }
0x8d: {  	s2 =	sadd.s32 s2, s17  }
0x8e: {  	[smem:$0x3FC0] =	sst s2  }
0x8f: {  	_ = 	snop  }
0x90: {  	s2 =	sld [smem:$0x3FD0];
	(tm) =	ssettm $0x1  }
0x91: {  	s18 =	sld [smem:$0x3FFB];
	_ =	sdelay $0x3  }
0x92: {  	_ =	strace s18  }
0x93: {  	s3 =	sld [smem:$0x3FFC];
	_ =	sdelay $0x3  }
0x94: {  	_ =	strace s3  }
0x95: {  	s3 =	sld [smem:$0x3FFD];
	_ =	sdelay $0x3  }
0x96: {  	_ =	strace s3  }
0x97: {  	_ =	strace $0x8FFFFFFF  }
0x98: {  	s19 =	sld [smem:$0x3FDB];
	_ =	sdelay $0x1  }
0x99: {  	s4 =	simm.s32 $_scs_section_size  }
0x9a: {  	s5 =	simm.s32 $_size__tile_overlayer_lowered;
	s6 =	simm.s32 $_tile_overlayer_lowered  }
0x9b: {  	s22 =	simm.s32 $0x1BFF;
	s21 =	sshll.u32 s6, $0x1;
	s3 =	sadd.s32 s4, s19  }
0x9c: {  	s7 =	simm.s32 $0x0;
	s20 =	sshll.u32 s5, $0x1;
	s5 =	sadd.s32 s21, s3  }
0x9d: {  	[timem:s7], [sflag:s22] =	dma.local [hbm:s5], s20  }
0x9e: {  	_ =	swait.ge [sflag:s22], s20  }
0x9f: {  	s4 =	ssub.s32 $0x0, s20;
	[sflag:s22] =	ssyncset.done $0x0  }
0xa0: {  	[sflag:s22] =	ssyncadd.s32 s4;
	_ =	sdelay $0x1  }
0xa1: {  	s23 =	simm.s32 $0x1B8B  }
0xa2: {  	_ =	swait.ge [sflag:s23], $0x1  }
0xa3: {  	[sflag:s23] =	ssyncset.done $0x0  }
0xa4: {  	s25 =	simm.s32 $0x1B8E;
	s24 =	sld [smem:$0x3FFE];
	[sflag:s23] =	ssyncadd.s32 $0xFFFFFFFF  }
0xa5: {  	s26 =	simm.s32 $execute0_lowered;
	[smem:$0x3FD2] =	sst s25  }
0xa6: {  	s5 =	sshll.u32 s26, $0x1;
	_ =	strace $0x80000046;
	[dreg:$0x1] =	wrdreg $0xFFFFFFFF  }
0xa7: {  	s28 =	simm.s32 $_size_execute0_lowered;
	s3 =	sadd.s32 s3, s5;
	[dreg:$0x0] =	wrdreg $0x0  }
0xa8: {  	s5 =	sshll.u32 s28, $0x1;
	[dreg:$0x2] =	wrdreg s3  }
0xa9: {  	[dreg:$0x3] =	wrdreg s5  }
0xaa: {  	[dreg:$0x4] =	wrdreg $0xC0  }
0xab: {  	_ =	task [dreg:s7], $0x5FFFF  }
0xac: {  	[dreg:$0x1] =	wrdreg $0xFFFFFFFF  }
0xad: {  	[dreg:$0x0] =	wrdreg $0x60  }
0xae: {  	[dreg:$0x2] =	wrdreg s2  }
0xaf: {  	[dreg:$0x3] =	wrdreg s24  }
0xb0: {  	[dreg:$0x4] =	wrdreg $0x9  }
0xb1: {  	_ =	task.clear_ibuf [dreg:s7], $0x5FFFF;
	_ =	strace $0x90000046  }
0xb2: {  	s29 =	simm.s32 $0x9;
	_ =	strace $0x80000048  }
0xb3: {  	_ =	swait.ge [sflag:s29], $0x1  }
0xb4: {  	[sflag:s29] =	ssyncadd.s32 $0xFFFFFFFF  }
0xb5: {  	_ =	strace $0x90000048  }
0xb6: {  	_ =	sfence  }
0xb7: {  	s30 =	sld [smem:$0x0];
	_ =	sdelay $0x2  }
0xb8: {  	s31 =	sshll.u32 s1, $0xD;
	s1 =	sshrl.u32 s1, $0x2  }
0xb9: {  	s3 =	sand.u32 $0x4000, s31;
	s1 =	sadd.s32 s1, s30  }
0xba: {  	s0 =	sor.u32 s3, s0;
	s1 =	sshll.u32 s1, $0x11  }
0xbb: {  	s0 =	sor.u32 s1, s0  }
0xbc: {  	s0 =	sadd.s32 $0x8F2B, s0  }
0xbd: {  	[sflag:s0] =	ssyncadd.remote.s32 $0x1  }
0xbe: {  	_ =	sfence.sel $0xFFFF  }
0xbf: {  	[dreg:$0x0] =	wrdreg $0xFFFFFFFF;
	(pc) =	sbr.abs _section_cstart, $3  }
0xc0: {  	[dreg:$0x1] =	wrdreg $0xFFFFFFFF  }
0xc1: {  	_ =	task.clear_ibuf [dreg:s7], $0x2FFFF;
	_ =	strace $0x9FFFFFFF  }
0xc2: {  	(tm) =	ssettm $0x7FFFFFFF  }
0xc3: {  	_ =	shalt  }
tec
execute0_lowered:
.L_overlay_start_1:
0x0: {  	(tag) =	ssettag $0x1  }
0x1: {  	s0 =	rddreg [dreg:$0x0]  }
0x2: {  	s8 =	rddreg [dreg:$0x1];
	s1 =	simm.s32 $0x0  }
0x3: {  	s5 =	srdreg.scid;
	s2 =	stileid.u32;
	s15 =	simm.s32 $0x2  }
0x4: {  	s16 =	simm.s32 $0x3;
	s17 =	simm.s32 $0x1;
	s18 =	simm.s32 $0x800  }
0x5: {  	s19 =	simm.s32 $0x1000;
	s20 =	simm.s32 $0x1800;
	s21 =	simm.s32 $0x2000  }
0x6: {  	s22 =	simm.s32 $0x2800;
	s23 =	simm.s32 $0x3000;
	s24 =	simm.s32 $0x3800  }
0x7: {  	s28 =	simm.s32 $0x5800;
	s29 =	simm.s32 $0x6000;
	s30 =	simm.s32 $0x6800  }
0x8: {  	s31 =	simm.s32 $0x7000;
	[smem:$0x7FF] =	sst s1;
	s4 =	sadd.s32 $0x2200, s8  }
0x9: {  	s3 =	sadd.s32 $0x2A00, s8;
	s5 =	sand.u32 $0x1, s5;
	s6 =	sshll.u32 s2, $0x7  }
0xa: {  	s9 =	sshll.u32 s2, $0xA;
	s13 =	sadd.s32 $0x2210, s8;
	s8 =	sadd.s32 $0x2B00, s8  }
0xb: {  	_ =	strace $0x80000047;
	s7 =	sshll.u32 s5, $0x6;
	s5 =	ssub.s32 $0x2, s5  }
0xc: {  	s6 =	sor.u32 s7, s6;
	s7 =	sor.u32 s7, s9;
	s10 =	sshrl.u32 s5, $0x1  }
0xd: {  	s7 =	sshrl.u32 s7, $0x3;
	s11 =	sor.u32 $0x20, s6;
	s10 =	ssub.s32 s5, s10  }
0xe: {  	s6 =	sshll.u32 s6, $0x6;
	s12 =	sadd.s32 s4, s7;
	s14 =	sand.u32 $0x60, s11  }
0xf: {  	s7 =	sadd.s32 s7, s13;
	s26 =	sshll.u32 s11, $0x6;
	s6 =	sadd.s32 s0, s6  }
0x10: {  	s11 =	simm.s32 $0x8000;
	[dreg:$0x3] =	wrdreg s12;
	s9 =	sor.u32 s9, s14  }
0x11: {  	[dreg:$0x4] =	wrdreg s7;
	s7 =	sadd.s32 s0, s26;
	s12 =	simm.s32 $0x8080  }
0x12: {  	v2 =	vlaneseq.u32;
	s14 =	simm.s32 $0x4000;
	s26 =	simm.s32 $0x5000;
	s25 =	sshrl.u32 s9, $0x3  }
0x13: {  	vm0 =	vmmov $0xffff;
	v1 =	vshrl.u32 v2, $0x3;
	s0 =	simm.s32 $0x7800;
	s9 =	smax.u32 s10, $0x1;
	s4 =	sadd.s32 s4, s25  }
0x14: {  	v0 =	vand.u32 $0x7, v2;
	v2 =	vor.u32 $0x8, v2;
	v1 =	vmul.u32 $0x8, v1;
	s5 =	sadd.s32 s25, s13;
	s13 =	simm.s32 $0x8180;
	s25 =	simm.s32 $0x4800  }
.LBB2_1:
0x15: {  	s2 =	rddreg [dreg:$0x3]  }
0x16: {  	[tilespmem:s11], [sflag:$0x2] =	stream.linear.gather [hbm4b:s2+s1], $0x20, $0x38;
	[tilespmem:$0x8200] =	vst v63  }
0x17: {  	s10 =	rddreg [dreg:$0x4];
	s2 =	simm.s32 $0x8100  }
0x18: {  	[tilespmem:s2], [sflag:$0x3] =	stream.linear.gather [hbm4b:s10+s1], $0x20, $0x38;
	[tilespmem:$0x8200] =	vst v63  }
0x19: {  	_ = 	snop  }
0x1a: {  	[tilespmem:s12], [sflag:$0x2] =	stream.linear.gather [hbm4b:s4+s1], $0x20, $0x38;
	[tilespmem:$0x8200] =	vst v63  }
0x1b: {  	_ = 	snop  }
0x1c: {  	[tilespmem:s13], [sflag:$0x3] =	stream.linear.gather [hbm4b:s5+s1], $0x20, $0x38;
	[tilespmem:$0x8200] =	vst v63  }
0x1d: {  	_ = 	snop  }
0x1e: {  	[tilespmem:s1], [sflag:$0x1] =	stream.linear.gather [hbm4b:s6+s1], $0x4000, $0x38;
	[tilespmem:$0x8200] =	vst v63  }
0x1f: {  	_ = 	snop  }
0x20: {  	[tilespmem:s14], [sflag:$0x1] =	stream.linear.gather [hbm4b:s7+s1], $0x4000, $0x38;
	[tilespmem:$0x8200] =	vst v63  }
0x21: {  	_ =	swait.ge [sflag:s15], $0x20  }
0x22: {  	[sflag:s15] =	ssyncset.done $0x0  }
0x23: {  	[sflag:s15] =	ssyncadd.s32 $0xFFFFFFE0  }
0x24: {  	_ =	swait.ge [sflag:s16], $0x20  }
0x25: {  	[sflag:s16] =	ssyncset.done $0x0  }
0x26: {  	[sflag:s16] =	ssyncadd.s32 $0xFFFFFFE0  }
0x27: {  	_ =	swait.ge [sflag:s15], $0x20  }
0x28: {  	[sflag:s15] =	ssyncset.done $0x0  }
0x29: {  	[sflag:s15] =	ssyncadd.s32 $0xFFFFFFE0  }
0x2a: {  	_ =	swait.ge [sflag:s16], $0x20  }
0x2b: {  	[sflag:s16] =	ssyncset.done $0x0  }
0x2c: {  	[sflag:s16] =	ssyncadd.s32 $0xFFFFFFE0  }
0x2d: {  	_ =	swait.ge [sflag:s17], $0x4000  }
0x2e: {  	[sflag:s17] =	ssyncset.done $0x0  }
0x2f: {  	[sflag:s17] =	ssyncadd.s32 $0xFFFFC000  }
0x30: {  	v3 =	vld [tilespmem:$0x8000];
	_ =	sdelay $0x4  }
0x31: {  	v4 =	vshll.u32 v3, $0x2  }
0x32: {  	v3 =	vand.u32 $0x7, v3;
	v4 =	vand.u32 $0xFFFFFFE0, v4  }
0x33: {  	v3 =	vor.u32 v3, v4  }
0x34: {  	v4 =	vperm.xlane v3, v0;
	_ =	sdelay $0x1  }
0x35: {  	v4 =	vadd.s32 v1, v4;
	_ =	sdelay $0x1  }
0x36: {  	v3 =	vperm.xlane v3, v2;
	_ =	sdelay $0x1  }
0x37: {  	v3 =	vadd.s32 v1, v3  }
0x38: {  	[hbm4b:s3+s1] =	stream.indirect_vreg.scatter [tilespmem:s1], [sflag:$0x2], $0x80, v4, vm0, $0xb8;
	[tilespmem:$0x8200] =	vst v63  }
0x39: {  	_ = 	snop  }
0x3a: {  	[hbm4b:s8+s1] =	stream.indirect_vreg.scatter [tilespmem:s18], [sflag:$0x2], $0x80, v4, vm0, $0xb8;
	[tilespmem:$0x8200] =	vst v63  }
0x3b: {  	_ = 	snop  }
0x3c: {  	[hbm4b:s3+s1] =	stream.indirect_vreg.scatter [tilespmem:s19], [sflag:$0x2], $0x80, v3, vm0, $0xb8;
	[tilespmem:$0x8200] =	vst v63  }
0x3d: {  	_ = 	snop  }
0x3e: {  	[hbm4b:s8+s1] =	stream.indirect_vreg.scatter [tilespmem:s20], [sflag:$0x2], $0x80, v3, vm0, $0xb8;
	[tilespmem:$0x8200] =	vst v63  }
0x3f: {  	v3 =	vld [tilespmem:$0x8010];
	_ =	sdelay $0x4  }
0x40: {  	v57 =	vshll.u32 v3, $0x2  }
0x41: {  	v3 =	vand.u32 $0x7, v3;
	v4 =	vand.u32 $0xFFFFFFE0, v57  }
0x42: {  	v3 =	vor.u32 v3, v4  }
0x43: {  	v4 =	vperm.xlane v3, v0;
	_ =	sdelay $0x1  }
0x44: {  	v4 =	vadd.s32 v1, v4;
	_ =	sdelay $0x1  }
0x45: {  	v3 =	vperm.xlane v3, v2;
	_ =	sdelay $0x1  }
0x46: {  	v3 =	vadd.s32 v1, v3  }
0x47: {  	[hbm4b:s3+s1] =	stream.indirect_vreg.scatter [tilespmem:s21], [sflag:$0x2], $0x80, v4, vm0, $0xb8;
	[tilespmem:$0x8200] =	vst v63  }
0x48: {  	_ = 	snop  }
0x49: {  	[hbm4b:s8+s1] =	stream.indirect_vreg.scatter [tilespmem:s22], [sflag:$0x2], $0x80, v4, vm0, $0xb8;
	[tilespmem:$0x8200] =	vst v63  }
0x4a: {  	_ = 	snop  }
0x4b: {  	[hbm4b:s3+s1] =	stream.indirect_vreg.scatter [tilespmem:s23], [sflag:$0x2], $0x80, v3, vm0, $0xb8;
	[tilespmem:$0x8200] =	vst v63  }
0x4c: {  	_ = 	snop  }
0x4d: {  	[hbm4b:s8+s1] =	stream.indirect_vreg.scatter [tilespmem:s24], [sflag:$0x2], $0x80, v3, vm0, $0xb8;
	[tilespmem:$0x8200] =	vst v63  }
0x4e: {  	v3 =	vld [tilespmem:$0x8100];
	_ =	sdelay $0x4  }
0x4f: {  	v58 =	vshll.u32 v3, $0x2  }
0x50: {  	v3 =	vand.u32 $0x7, v3;
	v4 =	vand.u32 $0xFFFFFFE0, v58  }
0x51: {  	v3 =	vor.u32 v3, v4  }
0x52: {  	v4 =	vperm.xlane v3, v0;
	_ =	sdelay $0x1  }
0x53: {  	v4 =	vadd.s32 v1, v4;
	_ =	sdelay $0x1  }
0x54: {  	v3 =	vperm.xlane v3, v2;
	_ =	sdelay $0x1  }
0x55: {  	v3 =	vadd.s32 v1, v3  }
0x56: {  	[hbm4b:s3+s1] =	stream.indirect_vreg.scatter [tilespmem:s1], [sflag:$0x3], $0x80, v4, vm0, $0xb8;
	[tilespmem:$0x8200] =	vst v63  }
0x57: {  	_ = 	snop  }
0x58: {  	[hbm4b:s8+s1] =	stream.indirect_vreg.scatter [tilespmem:s18], [sflag:$0x3], $0x80, v4, vm0, $0xb8;
	[tilespmem:$0x8200] =	vst v63  }
0x59: {  	_ = 	snop  }
0x5a: {  	[hbm4b:s3+s1] =	stream.indirect_vreg.scatter [tilespmem:s19], [sflag:$0x3], $0x80, v3, vm0, $0xb8;
	[tilespmem:$0x8200] =	vst v63  }
0x5b: {  	_ = 	snop  }
0x5c: {  	[hbm4b:s8+s1] =	stream.indirect_vreg.scatter [tilespmem:s20], [sflag:$0x3], $0x80, v3, vm0, $0xb8;
	[tilespmem:$0x8200] =	vst v63  }
0x5d: {  	v3 =	vld [tilespmem:$0x8110];
	_ =	sdelay $0x4  }
0x5e: {  	v59 =	vshll.u32 v3, $0x2  }
0x5f: {  	v3 =	vand.u32 $0x7, v3;
	v4 =	vand.u32 $0xFFFFFFE0, v59  }
0x60: {  	v3 =	vor.u32 v3, v4  }
0x61: {  	v4 =	vperm.xlane v3, v0;
	_ =	sdelay $0x1  }
0x62: {  	v4 =	vadd.s32 v1, v4;
	_ =	sdelay $0x1  }
0x63: {  	v3 =	vperm.xlane v3, v2;
	_ =	sdelay $0x1  }
0x64: {  	v3 =	vadd.s32 v1, v3  }
0x65: {  	[hbm4b:s3+s1] =	stream.indirect_vreg.scatter [tilespmem:s21], [sflag:$0x3], $0x80, v4, vm0, $0xb8;
	[tilespmem:$0x8200] =	vst v63  }
0x66: {  	_ = 	snop  }
0x67: {  	[hbm4b:s8+s1] =	stream.indirect_vreg.scatter [tilespmem:s22], [sflag:$0x3], $0x80, v4, vm0, $0xb8;
	[tilespmem:$0x8200] =	vst v63  }
0x68: {  	_ = 	snop  }
0x69: {  	[hbm4b:s3+s1] =	stream.indirect_vreg.scatter [tilespmem:s23], [sflag:$0x3], $0x80, v3, vm0, $0xb8;
	[tilespmem:$0x8200] =	vst v63  }
0x6a: {  	_ = 	snop  }
0x6b: {  	[hbm4b:s8+s1] =	stream.indirect_vreg.scatter [tilespmem:s24], [sflag:$0x3], $0x80, v3, vm0, $0xb8;
	[tilespmem:$0x8200] =	vst v63  }
0x6c: {  	_ =	swait.ge [sflag:s17], $0x4000  }
0x6d: {  	[sflag:s17] =	ssyncset.done $0x0  }
0x6e: {  	[sflag:s17] =	ssyncadd.s32 $0xFFFFC000  }
0x6f: {  	v3 =	vld [tilespmem:$0x8080];
	_ =	sdelay $0x4  }
0x70: {  	v60 =	vshll.u32 v3, $0x2  }
0x71: {  	v3 =	vand.u32 $0x7, v3;
	v4 =	vand.u32 $0xFFFFFFE0, v60  }
0x72: {  	v3 =	vor.u32 v3, v4  }
0x73: {  	v4 =	vperm.xlane v3, v0;
	_ =	sdelay $0x1  }
0x74: {  	v4 =	vadd.s32 v1, v4;
	_ =	sdelay $0x1  }
0x75: {  	v3 =	vperm.xlane v3, v2;
	_ =	sdelay $0x1  }
0x76: {  	v3 =	vadd.s32 v1, v3  }
0x77: {  	[hbm4b:s3+s1] =	stream.indirect_vreg.scatter [tilespmem:s14], [sflag:$0x2], $0x80, v4, vm0, $0xb8;
	[tilespmem:$0x8200] =	vst v63  }
0x78: {  	_ = 	snop  }
0x79: {  	[hbm4b:s8+s1] =	stream.indirect_vreg.scatter [tilespmem:s25], [sflag:$0x2], $0x80, v4, vm0, $0xb8;
	[tilespmem:$0x8200] =	vst v63  }
0x7a: {  	_ = 	snop  }
0x7b: {  	[hbm4b:s3+s1] =	stream.indirect_vreg.scatter [tilespmem:s26], [sflag:$0x2], $0x80, v3, vm0, $0xb8;
	[tilespmem:$0x8200] =	vst v63  }
0x7c: {  	_ = 	snop  }
0x7d: {  	[hbm4b:s8+s1] =	stream.indirect_vreg.scatter [tilespmem:s28], [sflag:$0x2], $0x80, v3, vm0, $0xb8;
	[tilespmem:$0x8200] =	vst v63  }
0x7e: {  	v3 =	vld [tilespmem:$0x8090];
	_ =	sdelay $0x4  }
0x7f: {  	v61 =	vshll.u32 v3, $0x2  }
0x80: {  	v3 =	vand.u32 $0x7, v3;
	v4 =	vand.u32 $0xFFFFFFE0, v61  }
0x81: {  	v3 =	vor.u32 v3, v4  }
0x82: {  	v4 =	vperm.xlane v3, v0;
	_ =	sdelay $0x1  }
0x83: {  	v4 =	vadd.s32 v1, v4;
	_ =	sdelay $0x1  }
0x84: {  	v3 =	vperm.xlane v3, v2;
	_ =	sdelay $0x1  }
0x85: {  	v3 =	vadd.s32 v1, v3  }
0x86: {  	[hbm4b:s3+s1] =	stream.indirect_vreg.scatter [tilespmem:s29], [sflag:$0x2], $0x80, v4, vm0, $0xb8;
	[tilespmem:$0x8200] =	vst v63  }
0x87: {  	_ = 	snop  }
0x88: {  	[hbm4b:s8+s1] =	stream.indirect_vreg.scatter [tilespmem:s30], [sflag:$0x2], $0x80, v4, vm0, $0xb8;
	[tilespmem:$0x8200] =	vst v63  }
0x89: {  	_ = 	snop  }
0x8a: {  	[hbm4b:s3+s1] =	stream.indirect_vreg.scatter [tilespmem:s31], [sflag:$0x2], $0x80, v3, vm0, $0xb8;
	[tilespmem:$0x8200] =	vst v63  }
0x8b: {  	_ = 	snop  }
0x8c: {  	[hbm4b:s8+s1] =	stream.indirect_vreg.scatter [tilespmem:s0], [sflag:$0x2], $0x80, v3, vm0, $0xb8;
	[tilespmem:$0x8200] =	vst v63  }
0x8d: {  	v3 =	vld [tilespmem:$0x8180];
	_ =	sdelay $0x4  }
0x8e: {  	v62 =	vshll.u32 v3, $0x2  }
0x8f: {  	v3 =	vand.u32 $0x7, v3;
	v4 =	vand.u32 $0xFFFFFFE0, v62  }
0x90: {  	v3 =	vor.u32 v3, v4  }
0x91: {  	v4 =	vperm.xlane v3, v0;
	_ =	sdelay $0x1  }
0x92: {  	v4 =	vadd.s32 v1, v4;
	_ =	sdelay $0x1  }
0x93: {  	v3 =	vperm.xlane v3, v2;
	_ =	sdelay $0x1  }
0x94: {  	v3 =	vadd.s32 v1, v3  }
0x95: {  	[hbm4b:s3+s1] =	stream.indirect_vreg.scatter [tilespmem:s14], [sflag:$0x3], $0x80, v4, vm0, $0xb8;
	[tilespmem:$0x8200] =	vst v63  }
0x96: {  	_ = 	snop  }
0x97: {  	[hbm4b:s8+s1] =	stream.indirect_vreg.scatter [tilespmem:s25], [sflag:$0x3], $0x80, v4, vm0, $0xb8;
	[tilespmem:$0x8200] =	vst v63  }
0x98: {  	_ = 	snop  }
0x99: {  	[hbm4b:s3+s1] =	stream.indirect_vreg.scatter [tilespmem:s26], [sflag:$0x3], $0x80, v3, vm0, $0xb8;
	[tilespmem:$0x8200] =	vst v63  }
0x9a: {  	_ = 	snop  }
0x9b: {  	[hbm4b:s8+s1] =	stream.indirect_vreg.scatter [tilespmem:s28], [sflag:$0x3], $0x80, v3, vm0, $0xb8;
	[tilespmem:$0x8200] =	vst v63  }
0x9c: {  	v3 =	vld [tilespmem:$0x8190];
	_ =	sdelay $0x4  }
0x9d: {  	v63 =	vshll.u32 v3, $0x2  }
0x9e: {  	v3 =	vand.u32 $0x7, v3;
	v4 =	vand.u32 $0xFFFFFFE0, v63  }
0x9f: {  	v3 =	vor.u32 v3, v4  }
0xa0: {  	v4 =	vperm.xlane v3, v0;
	_ =	sdelay $0x1  }
0xa1: {  	v4 =	vadd.s32 v1, v4;
	_ =	sdelay $0x1  }
0xa2: {  	v3 =	vperm.xlane v3, v2;
	_ =	sdelay $0x1  }
0xa3: {  	v3 =	vadd.s32 v1, v3  }
0xa4: {  	[hbm4b:s3+s1] =	stream.indirect_vreg.scatter [tilespmem:s29], [sflag:$0x3], $0x80, v4, vm0, $0xb8;
	[tilespmem:$0x8200] =	vst v63  }
0xa5: {  	_ = 	snop  }
0xa6: {  	[hbm4b:s8+s1] =	stream.indirect_vreg.scatter [tilespmem:s30], [sflag:$0x3], $0x80, v4, vm0, $0xb8;
	[tilespmem:$0x8200] =	vst v63  }
0xa7: {  	_ = 	snop  }
0xa8: {  	[hbm4b:s3+s1] =	stream.indirect_vreg.scatter [tilespmem:s31], [sflag:$0x3], $0x80, v3, vm0, $0xb8;
	[tilespmem:$0x8200] =	vst v63  }
0xa9: {  	_ = 	snop  }
0xaa: {  	[hbm4b:s8+s1] =	stream.indirect_vreg.scatter [tilespmem:s0], [sflag:$0x3], $0x80, v3, vm0, $0xb8;
	[tilespmem:$0x8200] =	vst v63  }
0xab: {  	_ =	swait.ge [sflag:s15], $0x4000  }
0xac: {  	[sflag:s15] =	ssyncset.done $0x0  }
0xad: {  	[sflag:s15] =	ssyncadd.s32 $0xFFFFC000  }
0xae: {  	_ =	swait.ge [sflag:s16], $0x4000  }
0xaf: {  	[sflag:s16] =	ssyncset.done $0x0  }
0xb0: {  	[sflag:s16] =	ssyncadd.s32 $0xFFFFC000  }
0xb1: {  	p0 =	sne.s32 s9, $0x1;
	_ =	swait.ge [sflag:s15], $0x4000  }
.Ltmp0:
0xb2: {  	[sflag:s15] =	ssyncset.done $0x0;
	(pc) =	sbr.rel @p0 .LBB2_1-.Ltmp0, $4  }
0xb3: {  	[sflag:s15] =	ssyncadd.s32 $0xFFFFC000  }
0xb4: {  	_ =	swait.ge [sflag:s16], $0x4000  }
0xb5: {  	[sflag:s16] =	ssyncset.done $0x0  }
0xb6: {  	s9 =	sadd.s32 $0xFFFFFFFF, s9;
	[sflag:s16] =	ssyncadd.s32 $0xFFFFC000  }
0xb7: {  	_ =	sfence.sel $0x180000  }
0xb8: {  	[bflag:$0x0] =	sbarrier.arrive $0xFFFF  }
0xb9: {  	_ =	strace $0x90000047  }
0xba: {  	s0 =	stileid.u32;
	[bflag:$0x2] =	sbarrier.arrive $0xFFFF  }
0xbb: {  	p0 =	sne.s32 s0, $0x0;
	s0 =	rddreg [dreg:$0x2]  }
0xbc: {  	s0 =	sadd.s32 @!p0 $0x100000, s0  }
0xbd: {  	[sflag:s0] =	ssyncadd.tile.s32 @!p0 $0x1;
	_ =	shalt  }
.Lfunc_end2:
_tile_overlayer_lowered:
.L_overlay_start_2:
0xbe: {  	(tag) =	ssettag $0x2  }
0xbf: {  	s0 =	rddreg [dreg:$0x0];
	s2 =	stileid.u32  }
0xc0: {  	s1 =	rddreg [dreg:$0x1];
	p0 =	sne.s32 s2, $0x0  }
0xc1: {  	s3 =	rddreg [dreg:$0x2];
	[bflag:$0x3] =	sbarrier.arrive $0xFFFF;
	s2 =	simm.s32 @!p0 $0x1C04  }
0xc2: {  	[timem:s3], [sflag:s2] =	dma.local @!p0 [hbm:s0], s1  }
0xc3: {  	s0 =	simm.s32 @!p0 $0x4  }
0xc4: {  	_ =	swait.ge @!p0 [sflag:s0], s1  }
0xc5: {  	s1 =	ssub.s32 @!p0 $0x0, s1;
	[sflag:s0] =	ssyncset.done @!p0 $0x0  }
0xc6: {  	[sflag:s0] =	ssyncadd.s32 @!p0 s1  }
0xc7: {  	[bflag:$0x3] =	sbarrier.arrive $0xFFFF  }
0xc8: {  	_ =	shalt  }

</sc_bundles>
